<compile_context>
chip_gen: v7x
topology: tpu7x:2x2x1
jax: 0.10.2.dev20260603
libtpu: 0.0.44.dev20260713+nightly
codegen_flags: <defaults>
</compile_context>

<pallas_src>
import functools

import jax
import jax.numpy as jnp
from jax import lax
from jax.experimental import pallas as pl
from jax.experimental.pallas import tpu as pltpu
from jax.experimental.pallas import tpu_sc as plsc

N = 8192
NSLICES = 8
Q_TC = 5760
Q_SC = N - Q_TC
NWORKERS = 32
WPS = NWORKERS // NSLICES
QPW = Q_SC // WPS
QV = QPW // 16

BQ = 64
LK = 128
NKB = N // LK
NQB_TC = Q_TC // BQ
BIGI = 1 << 30


def _sc_kernel(qx_hbm, qy_hbm, qz_hbm, kx_hbm, ky_hbm, kz_hbm,
               idx_hbm, sums_hbm, kx_v, ky_v, kz_v,
               qx_v, qy_v, qz_v, idx_v, sum_v):
    wid = lax.axis_index("s") * 2 + lax.axis_index("c")
    sl = wid // WPS
    part = wid % WPS
    kbase = sl * N
    qbase = sl * N + Q_TC + part * QPW

    pltpu.sync_copy(kx_hbm.at[pl.ds(kbase, N)], kx_v)
    pltpu.sync_copy(ky_hbm.at[pl.ds(kbase, N)], ky_v)
    pltpu.sync_copy(kz_hbm.at[pl.ds(kbase, N)], kz_v)
    pltpu.sync_copy(qx_hbm.at[pl.ds(qbase, QPW)], qx_v)
    pltpu.sync_copy(qy_hbm.at[pl.ds(qbase, QPW)], qy_v)
    pltpu.sync_copy(qz_hbm.at[pl.ds(qbase, QPW)], qz_v)

    def qtile(qv, vsum):
        off = qv * 16
        qx = qx_v[pl.ds(off, 16)]
        qy = qy_v[pl.ds(off, 16)]
        qz = qz_v[pl.ds(off, 16)]

        def kchunk(kv, carry):
            best, bidx = carry
            base = kv * 16
            kxv = kx_v[pl.ds(base, 16)]
            kyv = ky_v[pl.ds(base, 16)]
            kzv = kz_v[pl.ds(base, 16)]
            for j in range(16):
                dx = qx - kxv[j]
                dy = qy - kyv[j]
                dz = qz - kzv[j]
                d = dx * dx + dy * dy + dz * dz
                m = d < best
                best = jnp.where(m, d, best)
                bidx = jnp.where(m, base + j, bidx)
            return best, bidx

        best0 = jnp.full((16,), jnp.inf, jnp.float32)
        bidx0 = jnp.zeros((16,), jnp.int32)
        best, bidx = lax.fori_loop(0, N // 16, kchunk, (best0, bidx0))
        idx_v[pl.ds(off, 16)] = bidx
        return vsum + best

    vsum = lax.fori_loop(0, QV, qtile, jnp.zeros((16,), jnp.float32))
    sum_v[...] = vsum

    pltpu.sync_copy(idx_v, idx_hbm.at[pl.ds(wid * QPW, QPW)])
    pltpu.sync_copy(sum_v, sums_hbm.at[pl.ds(wid * 16, 16)])


def _tc_kernel(q_ref, k_ref, acc_ref, idx_ref):
    s = pl.program_id(0)
    qb = pl.program_id(1)

    qxb = jnp.broadcast_to(q_ref[0, :, 0:1], (BQ, LK))
    qyb = jnp.broadcast_to(q_ref[0, :, 1:2], (BQ, LK))
    qzb = jnp.broadcast_to(q_ref[0, :, 2:3], (BQ, LK))

    def body(kb, carry):
        runvals, runkb = carry
        base = kb * LK
        kx = k_ref[0, 0:1, pl.ds(base, LK)]
        ky = k_ref[0, 1:2, pl.ds(base, LK)]
        kz = k_ref[0, 2:3, pl.ds(base, LK)]
        dx = qxb - kx
        dy = qyb - ky
        dz = qzb - kz
        d = dx * dx + dy * dy + dz * dz
        m = d < runvals
        runvals = jnp.where(m, d, runvals)
        runkb = jnp.where(m, kb, runkb)
        return runvals, runkb

    rv0 = jnp.full((BQ, LK), jnp.inf, jnp.float32)
    rk0 = jnp.zeros((BQ, LK), jnp.int32)
    runvals, runkb = lax.fori_loop(0, NKB, body, (rv0, rk0), unroll=8)

    lane = lax.broadcasted_iota(jnp.int32, (BQ, LK), 1)
    runkey = runkb * LK + lane
    bm = jnp.min(runvals, axis=1, keepdims=True)
    ridx = jnp.min(
        jnp.where(runvals == bm, runkey, BIGI), axis=1, keepdims=True
    )
    idx_ref[0, :, :] = ridx

    @pl.when(jnp.logical_and(s == 0, qb == 0))
    def _init():
        acc_ref[0, 0] = 0.0

    acc_ref[0, 0] += jnp.sum(bm)


@jax.jit
def _run(q_tc, k_tc, q_sc, k_sc):
    mesh = plsc.VectorSubcoreMesh(core_axis_name="c", subcore_axis_name="s")
    sc = functools.partial(
        pl.kernel,
        mesh=mesh,
        out_type=[
            jax.ShapeDtypeStruct((NSLICES * Q_SC,), jnp.int32),
            jax.ShapeDtypeStruct((NWORKERS * 16,), jnp.float32),
        ],
        scratch_types=[
            pltpu.VMEM((N,), jnp.float32),
            pltpu.VMEM((N,), jnp.float32),
            pltpu.VMEM((N,), jnp.float32),
            pltpu.VMEM((QPW,), jnp.float32),
            pltpu.VMEM((QPW,), jnp.float32),
            pltpu.VMEM((QPW,), jnp.float32),
            pltpu.VMEM((QPW,), jnp.int32),
            pltpu.VMEM((16,), jnp.float32),
        ],
    )(_sc_kernel)
    idx_sc, sums_sc = sc(q_sc[0], q_sc[1], q_sc[2], k_sc[0], k_sc[1], k_sc[2])

    acc_tc, idx_tc = pl.pallas_call(
        _tc_kernel,
        grid=(NSLICES, NQB_TC),
        in_specs=[
            pl.BlockSpec((1, BQ, 3), lambda s, qb: (s, qb, 0)),
            pl.BlockSpec((1, 3, N), lambda s, qb: (s, 0, 0)),
        ],
        out_specs=[
            pl.BlockSpec((1, 1), lambda s, qb: (0, 0), memory_space=pltpu.SMEM),
            pl.BlockSpec((1, BQ, 1), lambda s, qb: (s, qb, 0)),
        ],
        out_shape=[
            jax.ShapeDtypeStruct((1, 1), jnp.float32),
            jax.ShapeDtypeStruct((NSLICES, Q_TC, 1), jnp.int32),
        ],
    )(q_tc, k_tc)

    idx = jnp.concatenate(
        [idx_tc.reshape(NSLICES, Q_TC), idx_sc.reshape(NSLICES, Q_SC)], axis=1
    )
    loss = (acc_tc[0, 0] + jnp.sum(sums_sc)) / jnp.float32(4 * N)
    return loss, idx


def kernel(pred_points, true_points):
    q_all = jnp.concatenate([pred_points, true_points], axis=0)
    k_all = jnp.concatenate([true_points, pred_points], axis=0)
    k_tc = k_all.transpose(0, 2, 1)
    q_sc = q_all.transpose(2, 0, 1).reshape(3, NSLICES * N)
    k_sc = k_all.transpose(2, 0, 1).reshape(3, NSLICES * N)
    loss, idx = _run(q_all, k_tc, q_sc, k_sc)
    return loss, idx[:4], idx[4:]

# --- scband reference (transcript-rebuilt; emitter-appended) ---
"""Pipeline reference for scband-criterion-31516470018681 (READ-ONLY COPY).

The authoritative reference and input builder live on the scoring server;
editing this copy changes nothing except your own understanding.
"""

import jax, jax.numpy as jnp
import numpy as np

CHUNK = 1024


def _nn_min_and_idx(q, k):
    # q: [Nq, 3], k: [Nk, 3] -> (min sq dist [Nq], argmin idx [Nq])
    # Chunked brute-force nearest neighbor (the nearest_neighbor_tensors kernel).
    def body(qc):
        d = jnp.sum((qc[:, None, :] - k[None, :, :]) ** 2, axis=-1)  # [CHUNK, Nk]
        return jnp.min(d, axis=1), jnp.argmin(d, axis=1)
    qcs = q.reshape(-1, CHUNK, q.shape[-1])
    dists, idx = jax.lax.map(body, qcs)
    return dists.reshape(-1), idx.reshape(-1)


def setup_inputs(seed: int = 0) -> dict:
    key = jax.random.key(seed)
    k1, k2 = jax.random.split(key)
    pred_points = jax.random.normal(k1, (4, 8192, 3), dtype=jnp.float32)
    true_points = jax.random.normal(k2, (4, 8192, 3), dtype=jnp.float32)
    return {"pred_points": pred_points, "true_points": true_points}


def reference(pred_points, true_points):
    # Symmetric Chamfer criterion: for each sampled pred point find the nearest
    # true point (and vice versa), as in prepare_for_surface_loss +
    # SymmetricChamferLoss. Indices correspond to vertex_data['index_sampled'].
    def per_batch(p, t):
        d_pt, idx_pt = _nn_min_and_idx(p, t)
        d_tp, idx_tp = _nn_min_and_idx(t, p)
        return jnp.mean(d_pt) + jnp.mean(d_tp), idx_pt, idx_tp
    losses, idx_pt, idx_tp = jax.vmap(per_batch)(pred_points, true_points)
    # apply_weights: loss * loss_weight (1.0) * head_weight (1.0)
    loss = jnp.mean(losses)
    return loss, idx_pt, idx_tp

if __name__ == "__main__":
    import jax
    _d = setup_inputs()
    print(jax.jit(kernel)(*tuple(_d.values())))

</pallas_src>

<mosaic_0001>
#map = affine_map<(d0, d1) -> (0)>
module attributes {stable_mosaic.version = 14 : i64} {
  func.func @_sc_kernel(%arg0: i32, %arg1: i32, %arg2: memref<65536xf32, #tpu.memory_space<hbm>>, %arg3: memref<65536xf32, #tpu.memory_space<hbm>>, %arg4: memref<65536xf32, #tpu.memory_space<hbm>>, %arg5: memref<65536xf32, #tpu.memory_space<hbm>>, %arg6: memref<65536xf32, #tpu.memory_space<hbm>>, %arg7: memref<65536xf32, #tpu.memory_space<hbm>>, %arg8: memref<19456xi32, #tpu.memory_space<hbm>>, %arg9: memref<512xf32, #tpu.memory_space<hbm>>, %arg10: memref<8192xf32, #tpu.memory_space<vmem>>, %arg11: memref<8192xf32, #tpu.memory_space<vmem>>, %arg12: memref<8192xf32, #tpu.memory_space<vmem>>, %arg13: memref<608xf32, #tpu.memory_space<vmem>>, %arg14: memref<608xf32, #tpu.memory_space<vmem>>, %arg15: memref<608xf32, #tpu.memory_space<vmem>>, %arg16: memref<608xi32, #tpu.memory_space<vmem>>, %arg17: memref<16xf32, #tpu.memory_space<vmem>>) attributes {dimension_semantics = [#tpu.dimension_semantics<core_parallel>, #tpu.dimension_semantics<subcore_parallel>], iteration_bounds = array<i64: 2, 16>, scalar_prefetch = 0 : i64, scratch_operands = 8 : i64, tpu.core_type = #tpu.core_type<sc_vector_subcore>, window_params = [{transform_indices = #map}, {transform_indices = #map}, {transform_indices = #map}, {transform_indices = #map}, {transform_indices = #map}, {transform_indices = #map}, {transform_indices = #map}, {transform_indices = #map}]} {
    %mul3A = arith.constant 2 : i32
    %mul3A_0 = arith.muli %arg1, %mul3A : i32
    %add3A = arith.addi %mul3A_0, %arg0 : i32
    %jit3A = arith.constant 4 : i32
    %div3A = arith.divsi %add3A, %jit3A : i32
    %sign3A = arith.constant 0 : i32
    %sign3A_1 = arith.cmpi sgt, %add3A, %sign3A : i32
    %sign3A_2 = arith.extui %sign3A_1 : i1 to i32
    %sign3A_3 = arith.constant 0 : i32
    %sign3A_4 = arith.cmpi slt, %add3A, %sign3A_3 : i32
    %sign3A_5 = arith.extui %sign3A_4 : i1 to i32
    %sign3A_6 = arith.subi %sign3A_2, %sign3A_5 : i32
    %sign3A_7 = arith.constant 0 : i32
    %sign3A_8 = arith.cmpi sgt, %jit3A, %sign3A_7 : i32
    %sign3A_9 = arith.extui %sign3A_8 : i1 to i32
    %sign3A_10 = arith.constant 0 : i32
    %sign3A_11 = arith.cmpi slt, %jit3A, %sign3A_10 : i32
    %sign3A_12 = arith.extui %sign3A_11 : i1 to i32
    %sign3A_13 = arith.subi %sign3A_9, %sign3A_12 : i32
    %ne3A = arith.cmpi ne, %sign3A_6, %sign3A_13 : i32
    %rem3A = arith.remsi %add3A, %jit3A : i32
    %ne3A_14 = arith.constant 0 : i32
    %ne3A_15 = arith.cmpi ne, %rem3A, %ne3A_14 : i32
    %and3A = arith.andi %ne3A, %ne3A_15 : i1
    %sub3A = arith.constant 1 : i32
    %sub3A_16 = arith.subi %div3A, %sub3A : i32
    %select_n3A = arith.select %and3A, %sub3A_16, %div3A : i32
    %jit3A_17 = arith.constant 4 : i32
    %eq3A = arith.constant 0 : i32
    %eq3A_18 = arith.cmpi eq, %jit3A_17, %eq3A : i32
    %jit3A_19 = arith.constant 1 : i32
    %select_n3A_20 = arith.select %eq3A_18, %jit3A_19, %jit3A_17 : i32
    %rem3A_21 = arith.remsi %add3A, %select_n3A_20 : i32
    %ne3A_22 = arith.constant 0 : i32
    %ne3A_23 = arith.cmpi ne, %rem3A_21, %ne3A_22 : i32
    %lt3A = arith.constant 0 : i32
    %lt3A_24 = arith.cmpi slt, %rem3A_21, %lt3A : i32
    %lt3A_25 = arith.constant 0 : i32
    %lt3A_26 = arith.cmpi slt, %select_n3A_20, %lt3A_25 : i32
    %ne3A_27 = arith.xori %lt3A_24, %lt3A_26 : i1
    %and3A_28 = arith.andi %ne3A_27, %ne3A_23 : i1
    %add3A_29 = arith.addi %rem3A_21, %select_n3A_20 : i32
    %select_n3A_30 = arith.select %and3A_28, %add3A_29, %rem3A_21 : i32
    %mul3A_31 = arith.constant 8192 : i32
    %mul3A_32 = arith.muli %select_n3A, %mul3A_31 : i32
    %mul3A_33 = arith.constant 8192 : i32
    %mul3A_34 = arith.muli %select_n3A, %mul3A_33 : i32
    %add3A_35 = arith.constant 5760 : i32
    %add3A_36 = arith.addi %mul3A_34, %add3A_35 : i32
    %mul3A_37 = arith.constant 608 : i32
    %mul3A_38 = arith.muli %select_n3A_30, %mul3A_37 : i32
    %add3A_39 = arith.addi %add3A_36, %mul3A_38 : i32
    "tpu.region"() ({
      %run_scoped3A = tpu.sem_alloc : memref<!tpu.dma_semaphore, #tpu.memory_space<semaphore_mem>>
      %dma_start3A = tpu.memref_slice %arg5[%mul3A_32] : memref<65536xf32, #tpu.memory_space<hbm>> -> memref<8192xf32, #tpu.memory_space<hbm>>
      %dma_start3A_53 = tpu.memref_slice %arg5[%mul3A_32] : memref<65536xf32, #tpu.memory_space<hbm>> -> memref<8192xf32, #tpu.memory_space<hbm>>
      tpu.enqueue_dma source(%dma_start3A_53 : memref<8192xf32, #tpu.memory_space<hbm>>) target(%arg10 : memref<8192xf32, #tpu.memory_space<vmem>>) target_semaphore(%run_scoped3A : memref<!tpu.dma_semaphore, #tpu.memory_space<semaphore_mem>>)
      %dma_wait3A = tpu.memref_slice %arg5[%mul3A_32] : memref<65536xf32, #tpu.memory_space<hbm>> -> memref<8192xf32, #tpu.memory_space<hbm>>
      %dma_wait3A_54 = tpu.memref_slice %arg5[%mul3A_32] : memref<65536xf32, #tpu.memory_space<hbm>> -> memref<8192xf32, #tpu.memory_space<hbm>>
      tpu.wait_dma2 semaphore(%run_scoped3A : memref<!tpu.dma_semaphore, #tpu.memory_space<semaphore_mem>>) src(%dma_wait3A_54 : memref<8192xf32, #tpu.memory_space<hbm>>) dst(%arg10 : memref<8192xf32, #tpu.memory_space<vmem>>)
      tpu.yield
    }) : () -> ()
    "tpu.region"() ({
      %run_scoped3A = tpu.sem_alloc : memref<!tpu.dma_semaphore, #tpu.memory_space<semaphore_mem>>
      %dma_start3A = tpu.memref_slice %arg6[%mul3A_32] : memref<65536xf32, #tpu.memory_space<hbm>> -> memref<8192xf32, #tpu.memory_space<hbm>>
      %dma_start3A_53 = tpu.memref_slice %arg6[%mul3A_32] : memref<65536xf32, #tpu.memory_space<hbm>> -> memref<8192xf32, #tpu.memory_space<hbm>>
      tpu.enqueue_dma source(%dma_start3A_53 : memref<8192xf32, #tpu.memory_space<hbm>>) target(%arg11 : memref<8192xf32, #tpu.memory_space<vmem>>) target_semaphore(%run_scoped3A : memref<!tpu.dma_semaphore, #tpu.memory_space<semaphore_mem>>)
      %dma_wait3A = tpu.memref_slice %arg6[%mul3A_32] : memref<65536xf32, #tpu.memory_space<hbm>> -> memref<8192xf32, #tpu.memory_space<hbm>>
      %dma_wait3A_54 = tpu.memref_slice %arg6[%mul3A_32] : memref<65536xf32, #tpu.memory_space<hbm>> -> memref<8192xf32, #tpu.memory_space<hbm>>
      tpu.wait_dma2 semaphore(%run_scoped3A : memref<!tpu.dma_semaphore, #tpu.memory_space<semaphore_mem>>) src(%dma_wait3A_54 : memref<8192xf32, #tpu.memory_space<hbm>>) dst(%arg11 : memref<8192xf32, #tpu.memory_space<vmem>>)
      tpu.yield
    }) : () -> ()
    "tpu.region"() ({
      %run_scoped3A = tpu.sem_alloc : memref<!tpu.dma_semaphore, #tpu.memory_space<semaphore_mem>>
      %dma_start3A = tpu.memref_slice %arg7[%mul3A_32] : memref<65536xf32, #tpu.memory_space<hbm>> -> memref<8192xf32, #tpu.memory_space<hbm>>
      %dma_start3A_53 = tpu.memref_slice %arg7[%mul3A_32] : memref<65536xf32, #tpu.memory_space<hbm>> -> memref<8192xf32, #tpu.memory_space<hbm>>
      tpu.enqueue_dma source(%dma_start3A_53 : memref<8192xf32, #tpu.memory_space<hbm>>) target(%arg12 : memref<8192xf32, #tpu.memory_space<vmem>>) target_semaphore(%run_scoped3A : memref<!tpu.dma_semaphore, #tpu.memory_space<semaphore_mem>>)
      %dma_wait3A = tpu.memref_slice %arg7[%mul3A_32] : memref<65536xf32, #tpu.memory_space<hbm>> -> memref<8192xf32, #tpu.memory_space<hbm>>
      %dma_wait3A_54 = tpu.memref_slice %arg7[%mul3A_32] : memref<65536xf32, #tpu.memory_space<hbm>> -> memref<8192xf32, #tpu.memory_space<hbm>>
      tpu.wait_dma2 semaphore(%run_scoped3A : memref<!tpu.dma_semaphore, #tpu.memory_space<semaphore_mem>>) src(%dma_wait3A_54 : memref<8192xf32, #tpu.memory_space<hbm>>) dst(%arg12 : memref<8192xf32, #tpu.memory_space<vmem>>)
      tpu.yield
    }) : () -> ()
    "tpu.region"() ({
      %run_scoped3A = tpu.sem_alloc : memref<!tpu.dma_semaphore, #tpu.memory_space<semaphore_mem>>
      %dma_start3A = tpu.memref_slice %arg2[%add3A_39] : memref<65536xf32, #tpu.memory_space<hbm>> -> memref<608xf32, #tpu.memory_space<hbm>>
      %dma_start3A_53 = tpu.memref_slice %arg2[%add3A_39] : memref<65536xf32, #tpu.memory_space<hbm>> -> memref<608xf32, #tpu.memory_space<hbm>>
      tpu.enqueue_dma source(%dma_start3A_53 : memref<608xf32, #tpu.memory_space<hbm>>) target(%arg13 : memref<608xf32, #tpu.memory_space<vmem>>) target_semaphore(%run_scoped3A : memref<!tpu.dma_semaphore, #tpu.memory_space<semaphore_mem>>)
      %dma_wait3A = tpu.memref_slice %arg2[%add3A_39] : memref<65536xf32, #tpu.memory_space<hbm>> -> memref<608xf32, #tpu.memory_space<hbm>>
      %dma_wait3A_54 = tpu.memref_slice %arg2[%add3A_39] : memref<65536xf32, #tpu.memory_space<hbm>> -> memref<608xf32, #tpu.memory_space<hbm>>
      tpu.wait_dma2 semaphore(%run_scoped3A : memref<!tpu.dma_semaphore, #tpu.memory_space<semaphore_mem>>) src(%dma_wait3A_54 : memref<608xf32, #tpu.memory_space<hbm>>) dst(%arg13 : memref<608xf32, #tpu.memory_space<vmem>>)
      tpu.yield
    }) : () -> ()
    "tpu.region"() ({
      %run_scoped3A = tpu.sem_alloc : memref<!tpu.dma_semaphore, #tpu.memory_space<semaphore_mem>>
      %dma_start3A = tpu.memref_slice %arg3[%add3A_39] : memref<65536xf32, #tpu.memory_space<hbm>> -> memref<608xf32, #tpu.memory_space<hbm>>
      %dma_start3A_53 = tpu.memref_slice %arg3[%add3A_39] : memref<65536xf32, #tpu.memory_space<hbm>> -> memref<608xf32, #tpu.memory_space<hbm>>
      tpu.enqueue_dma source(%dma_start3A_53 : memref<608xf32, #tpu.memory_space<hbm>>) target(%arg14 : memref<608xf32, #tpu.memory_space<vmem>>) target_semaphore(%run_scoped3A : memref<!tpu.dma_semaphore, #tpu.memory_space<semaphore_mem>>)
      %dma_wait3A = tpu.memref_slice %arg3[%add3A_39] : memref<65536xf32, #tpu.memory_space<hbm>> -> memref<608xf32, #tpu.memory_space<hbm>>
      %dma_wait3A_54 = tpu.memref_slice %arg3[%add3A_39] : memref<65536xf32, #tpu.memory_space<hbm>> -> memref<608xf32, #tpu.memory_space<hbm>>
      tpu.wait_dma2 semaphore(%run_scoped3A : memref<!tpu.dma_semaphore, #tpu.memory_space<semaphore_mem>>) src(%dma_wait3A_54 : memref<608xf32, #tpu.memory_space<hbm>>) dst(%arg14 : memref<608xf32, #tpu.memory_space<vmem>>)
      tpu.yield
    }) : () -> ()
    "tpu.region"() ({
      %run_scoped3A = tpu.sem_alloc : memref<!tpu.dma_semaphore, #tpu.memory_space<semaphore_mem>>
      %dma_start3A = tpu.memref_slice %arg4[%add3A_39] : memref<65536xf32, #tpu.memory_space<hbm>> -> memref<608xf32, #tpu.memory_space<hbm>>
      %dma_start3A_53 = tpu.memref_slice %arg4[%add3A_39] : memref<65536xf32, #tpu.memory_space<hbm>> -> memref<608xf32, #tpu.memory_space<hbm>>
      tpu.enqueue_dma source(%dma_start3A_53 : memref<608xf32, #tpu.memory_space<hbm>>) target(%arg15 : memref<608xf32, #tpu.memory_space<vmem>>) target_semaphore(%run_scoped3A : memref<!tpu.dma_semaphore, #tpu.memory_space<semaphore_mem>>)
      %dma_wait3A = tpu.memref_slice %arg4[%add3A_39] : memref<65536xf32, #tpu.memory_space<hbm>> -> memref<608xf32, #tpu.memory_space<hbm>>
      %dma_wait3A_54 = tpu.memref_slice %arg4[%add3A_39] : memref<65536xf32, #tpu.memory_space<hbm>> -> memref<608xf32, #tpu.memory_space<hbm>>
      tpu.wait_dma2 semaphore(%run_scoped3A : memref<!tpu.dma_semaphore, #tpu.memory_space<semaphore_mem>>) src(%dma_wait3A_54 : memref<608xf32, #tpu.memory_space<hbm>>) dst(%arg15 : memref<608xf32, #tpu.memory_space<vmem>>)
      tpu.yield
    }) : () -> ()
    %broadcast_in_dim3A = arith.constant 0.000000e+00 : f32
    %broadcast_in_dim3A_40 = vector.broadcast %broadcast_in_dim3A : f32 to vector<16xf32>
    %scan3A = arith.constant 0 : i32
    %scan3A_41 = arith.constant 38 : i32
    %scan3A_42 = arith.addi %scan3A, %scan3A_41 : i32
    %scan3A_43 = arith.constant 1 : i32
    %scan3A_44 = scf.for %scan3A_53 = %scan3A to %scan3A_42 step %scan3A_43 iter_args(%scan3A_54 = %broadcast_in_dim3A_40) -> (vector<16xf32>)  : i32 {
      %mul3A_55 = arith.constant 16 : i32
      %mul3A_56 = arith.muli %scan3A_53, %mul3A_55 : i32
      %get3A = arith.index_cast %mul3A_56 : i32 to index
      %get3A_57 = tpu.vector_load %arg13[%get3A] {strides = array<i32>} : memref<608xf32, #tpu.memory_space<vmem>>, vector<16xf32>,
      %get3A_58 = vector.shape_cast %get3A_57 : vector<16xf32> to vector<16xf32>
      %get3A_59 = arith.index_cast %mul3A_56 : i32 to index
      %get3A_60 = tpu.vector_load %arg14[%get3A_59] {strides = array<i32>} : memref<608xf32, #tpu.memory_space<vmem>>, vector<16xf32>,
      %get3A_61 = vector.shape_cast %get3A_60 : vector<16xf32> to vector<16xf32>
      %get3A_62 = arith.index_cast %mul3A_56 : i32 to index
      %get3A_63 = tpu.vector_load %arg15[%get3A_62] {strides = array<i32>} : memref<608xf32, #tpu.memory_space<vmem>>, vector<16xf32>,
      %get3A_64 = vector.shape_cast %get3A_63 : vector<16xf32> to vector<16xf32>
      %broadcast_in_dim3A_65 = arith.constant 0x7F800000 : f32
      %broadcast_in_dim3A_66 = vector.broadcast %broadcast_in_dim3A_65 : f32 to vector<16xf32>
      %broadcast_in_dim3A_67 = arith.constant 0 : i32
      %broadcast_in_dim3A_68 = vector.broadcast %broadcast_in_dim3A_67 : i32 to vector<16xi32>
      %scan3A_69 = arith.constant 0 : i32
      %scan3A_70 = arith.constant 512 : i32
      %scan3A_71 = arith.addi %scan3A_69, %scan3A_70 : i32
      %scan3A_72 = arith.constant 1 : i32
      %scan3A_73:2 = scf.for %scan3A_80 = %scan3A_69 to %scan3A_71 step %scan3A_72 iter_args(%scan3A_81 = %broadcast_in_dim3A_66, %scan3A_82 = %broadcast_in_dim3A_68) -> (vector<16xf32>, vector<16xi32>)  : i32 {
        %mul3A_83 = arith.constant 16 : i32
        %mul3A_84 = arith.muli %scan3A_80, %mul3A_83 : i32
        %get3A_85 = arith.index_cast %mul3A_84 : i32 to index
        %get3A_86 = tpu.vector_load %arg10[%get3A_85] {strides = array<i32>} : memref<8192xf32, #tpu.memory_space<vmem>>, vector<16xf32>,
        %get3A_87 = vector.shape_cast %get3A_86 : vector<16xf32> to vector<16xf32>
        %get3A_88 = arith.index_cast %mul3A_84 : i32 to index
        %get3A_89 = tpu.vector_load %arg11[%get3A_88] {strides = array<i32>} : memref<8192xf32, #tpu.memory_space<vmem>>, vector<16xf32>,
        %get3A_90 = vector.shape_cast %get3A_89 : vector<16xf32> to vector<16xf32>
        %get3A_91 = arith.index_cast %mul3A_84 : i32 to index
        %get3A_92 = tpu.vector_load %arg12[%get3A_91] {strides = array<i32>} : memref<8192xf32, #tpu.memory_space<vmem>>, vector<16xf32>,
        %get3A_93 = vector.shape_cast %get3A_92 : vector<16xf32> to vector<16xf32>
        %slice3A = vector.extract_strided_slice %get3A_87 {offsets = [0], sizes = [1], strides = [1]} : vector<16xf32> to vector<1xf32>
        %squeeze3A = vector.extract %slice3A[0] : f32 from vector<1xf32>
        %sub3A_94 = vector.broadcast %squeeze3A : f32 to vector<16xf32>
        %sub3A_95 = arith.subf %get3A_58, %sub3A_94 : vector<16xf32>
        %slice3A_96 = vector.extract_strided_slice %get3A_90 {offsets = [0], sizes = [1], strides = [1]} : vector<16xf32> to vector<1xf32>
        %squeeze3A_97 = vector.extract %slice3A_96[0] : f32 from vector<1xf32>
        %sub3A_98 = vector.broadcast %squeeze3A_97 : f32 to vector<16xf32>
        %sub3A_99 = arith.subf %get3A_61, %sub3A_98 : vector<16xf32>
        %slice3A_100 = vector.extract_strided_slice %get3A_93 {offsets = [0], sizes = [1], strides = [1]} : vector<16xf32> to vector<1xf32>
        %squeeze3A_101 = vector.extract %slice3A_100[0] : f32 from vector<1xf32>
        %sub3A_102 = vector.broadcast %squeeze3A_101 : f32 to vector<16xf32>
        %sub3A_103 = arith.subf %get3A_64, %sub3A_102 : vector<16xf32>
        %mul3A_104 = arith.mulf %sub3A_95, %sub3A_95 : vector<16xf32>
        %mul3A_105 = arith.mulf %sub3A_99, %sub3A_99 : vector<16xf32>
        %add3A_106 = arith.addf %mul3A_104, %mul3A_105 : vector<16xf32>
        %mul3A_107 = arith.mulf %sub3A_103, %sub3A_103 : vector<16xf32>
        %add3A_108 = arith.addf %add3A_106, %mul3A_107 : vector<16xf32>
        %lt3A_109 = arith.cmpf olt, %add3A_108, %scan3A_81 : vector<16xf32>
        %select_n3A_110 = arith.select %lt3A_109, %add3A_108, %scan3A_81 : vector<16xi1>, vector<16xf32>
        %add3A_111 = arith.constant 0 : i32
        %add3A_112 = arith.addi %mul3A_84, %add3A_111 : i32
        %broadcast_in_dim3A_113 = vector.broadcast %add3A_112 : i32 to vector<16xi32>
        %select_n3A_114 = arith.select %lt3A_109, %broadcast_in_dim3A_113, %scan3A_82 : vector<16xi1>, vector<16xi32>
        %slice3A_115 = vector.extract_strided_slice %get3A_87 {offsets = [1], sizes = [1], strides = [1]} : vector<16xf32> to vector<1xf32>
        %squeeze3A_116 = vector.extract %slice3A_115[0] : f32 from vector<1xf32>
        %sub3A_117 = vector.broadcast %squeeze3A_116 : f32 to vector<16xf32>
        %sub3A_118 = arith.subf %get3A_58, %sub3A_117 : vector<16xf32>
        %slice3A_119 = vector.extract_strided_slice %get3A_90 {offsets = [1], sizes = [1], strides = [1]} : vector<16xf32> to vector<1xf32>
        %squeeze3A_120 = vector.extract %slice3A_119[0] : f32 from vector<1xf32>
        %sub3A_121 = vector.broadcast %squeeze3A_120 : f32 to vector<16xf32>
        %sub3A_122 = arith.subf %get3A_61, %sub3A_121 : vector<16xf32>
        %slice3A_123 = vector.extract_strided_slice %get3A_93 {offsets = [1], sizes = [1], strides = [1]} : vector<16xf32> to vector<1xf32>
        %squeeze3A_124 = vector.extract %slice3A_123[0] : f32 from vector<1xf32>
        %sub3A_125 = vector.broadcast %squeeze3A_124 : f32 to vector<16xf32>
        %sub3A_126 = arith.subf %get3A_64, %sub3A_125 : vector<16xf32>
        %mul3A_127 = arith.mulf %sub3A_118, %sub3A_118 : vector<16xf32>
        %mul3A_128 = arith.mulf %sub3A_122, %sub3A_122 : vector<16xf32>
        %add3A_129 = arith.addf %mul3A_127, %mul3A_128 : vector<16xf32>
        %mul3A_130 = arith.mulf %sub3A_126, %sub3A_126 : vector<16xf32>
        %add3A_131 = arith.addf %add3A_129, %mul3A_130 : vector<16xf32>
        %lt3A_132 = arith.cmpf olt, %add3A_131, %select_n3A_110 : vector<16xf32>
        %select_n3A_133 = arith.select %lt3A_132, %add3A_131, %select_n3A_110 : vector<16xi1>, vector<16xf32>
        %add3A_134 = arith.constant 1 : i32
        %add3A_135 = arith.addi %mul3A_84, %add3A_134 : i32
        %broadcast_in_dim3A_136 = vector.broadcast %add3A_135 : i32 to vector<16xi32>
        %select_n3A_137 = arith.select %lt3A_132, %broadcast_in_dim3A_136, %select_n3A_114 : vector<16xi1>, vector<16xi32>
        %slice3A_138 = vector.extract_strided_slice %get3A_87 {offsets = [2], sizes = [1], strides = [1]} : vector<16xf32> to vector<1xf32>
        %squeeze3A_139 = vector.extract %slice3A_138[0] : f32 from vector<1xf32>
        %sub3A_140 = vector.broadcast %squeeze3A_139 : f32 to vector<16xf32>
        %sub3A_141 = arith.subf %get3A_58, %sub3A_140 : vector<16xf32>
        %slice3A_142 = vector.extract_strided_slice %get3A_90 {offsets = [2], sizes = [1], strides = [1]} : vector<16xf32> to vector<1xf32>
        %squeeze3A_143 = vector.extract %slice3A_142[0] : f32 from vector<1xf32>
        %sub3A_144 = vector.broadcast %squeeze3A_143 : f32 to vector<16xf32>
        %sub3A_145 = arith.subf %get3A_61, %sub3A_144 : vector<16xf32>
        %slice3A_146 = vector.extract_strided_slice %get3A_93 {offsets = [2], sizes = [1], strides = [1]} : vector<16xf32> to vector<1xf32>
        %squeeze3A_147 = vector.extract %slice3A_146[0] : f32 from vector<1xf32>
        %sub3A_148 = vector.broadcast %squeeze3A_147 : f32 to vector<16xf32>
        %sub3A_149 = arith.subf %get3A_64, %sub3A_148 : vector<16xf32>
        %mul3A_150 = arith.mulf %sub3A_141, %sub3A_141 : vector<16xf32>
        %mul3A_151 = arith.mulf %sub3A_145, %sub3A_145 : vector<16xf32>
        %add3A_152 = arith.addf %mul3A_150, %mul3A_151 : vector<16xf32>
        %mul3A_153 = arith.mulf %sub3A_149, %sub3A_149 : vector<16xf32>
        %add3A_154 = arith.addf %add3A_152, %mul3A_153 : vector<16xf32>
        %lt3A_155 = arith.cmpf olt, %add3A_154, %select_n3A_133 : vector<16xf32>
        %select_n3A_156 = arith.select %lt3A_155, %add3A_154, %select_n3A_133 : vector<16xi1>, vector<16xf32>
        %add3A_157 = arith.constant 2 : i32
        %add3A_158 = arith.addi %mul3A_84, %add3A_157 : i32
        %broadcast_in_dim3A_159 = vector.broadcast %add3A_158 : i32 to vector<16xi32>
        %select_n3A_160 = arith.select %lt3A_155, %broadcast_in_dim3A_159, %select_n3A_137 : vector<16xi1>, vector<16xi32>
        %slice3A_161 = vector.extract_strided_slice %get3A_87 {offsets = [3], sizes = [1], strides = [1]} : vector<16xf32> to vector<1xf32>
        %squeeze3A_162 = vector.extract %slice3A_161[0] : f32 from vector<1xf32>
        %sub3A_163 = vector.broadcast %squeeze3A_162 : f32 to vector<16xf32>
        %sub3A_164 = arith.subf %get3A_58, %sub3A_163 : vector<16xf32>
        %slice3A_165 = vector.extract_strided_slice %get3A_90 {offsets = [3], sizes = [1], strides = [1]} : vector<16xf32> to vector<1xf32>
        %squeeze3A_166 = vector.extract %slice3A_165[0] : f32 from vector<1xf32>
        %sub3A_167 = vector.broadcast %squeeze3A_166 : f32 to vector<16xf32>
        %sub3A_168 = arith.subf %get3A_61, %sub3A_167 : vector<16xf32>
        %slice3A_169 = vector.extract_strided_slice %get3A_93 {offsets = [3], sizes = [1], strides = [1]} : vector<16xf32> to vector<1xf32>
        %squeeze3A_170 = vector.extract %slice3A_169[0] : f32 from vector<1xf32>
        %sub3A_171 = vector.broadcast %squeeze3A_170 : f32 to vector<16xf32>
        %sub3A_172 = arith.subf %get3A_64, %sub3A_171 : vector<16xf32>
        %mul3A_173 = arith.mulf %sub3A_164, %sub3A_164 : vector<16xf32>
        %mul3A_174 = arith.mulf %sub3A_168, %sub3A_168 : vector<16xf32>
        %add3A_175 = arith.addf %mul3A_173, %mul3A_174 : vector<16xf32>
        %mul3A_176 = arith.mulf %sub3A_172, %sub3A_172 : vector<16xf32>
        %add3A_177 = arith.addf %add3A_175, %mul3A_176 : vector<16xf32>
        %lt3A_178 = arith.cmpf olt, %add3A_177, %select_n3A_156 : vector<16xf32>
        %select_n3A_179 = arith.select %lt3A_178, %add3A_177, %select_n3A_156 : vector<16xi1>, vector<16xf32>
        %add3A_180 = arith.constant 3 : i32
        %add3A_181 = arith.addi %mul3A_84, %add3A_180 : i32
        %broadcast_in_dim3A_182 = vector.broadcast %add3A_181 : i32 to vector<16xi32>
        %select_n3A_183 = arith.select %lt3A_178, %broadcast_in_dim3A_182, %select_n3A_160 : vector<16xi1>, vector<16xi32>
        %slice3A_184 = vector.extract_strided_slice %get3A_87 {offsets = [4], sizes = [1], strides = [1]} : vector<16xf32> to vector<1xf32>
        %squeeze3A_185 = vector.extract %slice3A_184[0] : f32 from vector<1xf32>
        %sub3A_186 = vector.broadcast %squeeze3A_185 : f32 to vector<16xf32>
        %sub3A_187 = arith.subf %get3A_58, %sub3A_186 : vector<16xf32>
        %slice3A_188 = vector.extract_strided_slice %get3A_90 {offsets = [4], sizes = [1], strides = [1]} : vector<16xf32> to vector<1xf32>
        %squeeze3A_189 = vector.extract %slice3A_188[0] : f32 from vector<1xf32>
        %sub3A_190 = vector.broadcast %squeeze3A_189 : f32 to vector<16xf32>
        %sub3A_191 = arith.subf %get3A_61, %sub3A_190 : vector<16xf32>
        %slice3A_192 = vector.extract_strided_slice %get3A_93 {offsets = [4], sizes = [1], strides = [1]} : vector<16xf32> to vector<1xf32>
        %squeeze3A_193 = vector.extract %slice3A_192[0] : f32 from vector<1xf32>
        %sub3A_194 = vector.broadcast %squeeze3A_193 : f32 to vector<16xf32>
        %sub3A_195 = arith.subf %get3A_64, %sub3A_194 : vector<16xf32>
        %mul3A_196 = arith.mulf %sub3A_187, %sub3A_187 : vector<16xf32>
        %mul3A_197 = arith.mulf %sub3A_191, %sub3A_191 : vector<16xf32>
        %add3A_198 = arith.addf %mul3A_196, %mul3A_197 : vector<16xf32>
        %mul3A_199 = arith.mulf %sub3A_195, %sub3A_195 : vector<16xf32>
        %add3A_200 = arith.addf %add3A_198, %mul3A_199 : vector<16xf32>
        %lt3A_201 = arith.cmpf olt, %add3A_200, %select_n3A_179 : vector<16xf32>
        %select_n3A_202 = arith.select %lt3A_201, %add3A_200, %select_n3A_179 : vector<16xi1>, vector<16xf32>
        %add3A_203 = arith.constant 4 : i32
        %add3A_204 = arith.addi %mul3A_84, %add3A_203 : i32
        %broadcast_in_dim3A_205 = vector.broadcast %add3A_204 : i32 to vector<16xi32>
        %select_n3A_206 = arith.select %lt3A_201, %broadcast_in_dim3A_205, %select_n3A_183 : vector<16xi1>, vector<16xi32>
        %slice3A_207 = vector.extract_strided_slice %get3A_87 {offsets = [5], sizes = [1], strides = [1]} : vector<16xf32> to vector<1xf32>
        %squeeze3A_208 = vector.extract %slice3A_207[0] : f32 from vector<1xf32>
        %sub3A_209 = vector.broadcast %squeeze3A_208 : f32 to vector<16xf32>
        %sub3A_210 = arith.subf %get3A_58, %sub3A_209 : vector<16xf32>
        %slice3A_211 = vector.extract_strided_slice %get3A_90 {offsets = [5], sizes = [1], strides = [1]} : vector<16xf32> to vector<1xf32>
        %squeeze3A_212 = vector.extract %slice3A_211[0] : f32 from vector<1xf32>
        %sub3A_213 = vector.broadcast %squeeze3A_212 : f32 to vector<16xf32>
        %sub3A_214 = arith.subf %get3A_61, %sub3A_213 : vector<16xf32>
        %slice3A_215 = vector.extract_strided_slice %get3A_93 {offsets = [5], sizes = [1], strides = [1]} : vector<16xf32> to vector<1xf32>
        %squeeze3A_216 = vector.extract %slice3A_215[0] : f32 from vector<1xf32>
        %sub3A_217 = vector.broadcast %squeeze3A_216 : f32 to vector<16xf32>
        %sub3A_218 = arith.subf %get3A_64, %sub3A_217 : vector<16xf32>
        %mul3A_219 = arith.mulf %sub3A_210, %sub3A_210 : vector<16xf32>
        %mul3A_220 = arith.mulf %sub3A_214, %sub3A_214 : vector<16xf32>
        %add3A_221 = arith.addf %mul3A_219, %mul3A_220 : vector<16xf32>
        %mul3A_222 = arith.mulf %sub3A_218, %sub3A_218 : vector<16xf32>
        %add3A_223 = arith.addf %add3A_221, %mul3A_222 : vector<16xf32>
        %lt3A_224 = arith.cmpf olt, %add3A_223, %select_n3A_202 : vector<16xf32>
        %select_n3A_225 = arith.select %lt3A_224, %add3A_223, %select_n3A_202 : vector<16xi1>, vector<16xf32>
        %add3A_226 = arith.constant 5 : i32
        %add3A_227 = arith.addi %mul3A_84, %add3A_226 : i32
        %broadcast_in_dim3A_228 = vector.broadcast %add3A_227 : i32 to vector<16xi32>
        %select_n3A_229 = arith.select %lt3A_224, %broadcast_in_dim3A_228, %select_n3A_206 : vector<16xi1>, vector<16xi32>
        %slice3A_230 = vector.extract_strided_slice %get3A_87 {offsets = [6], sizes = [1], strides = [1]} : vector<16xf32> to vector<1xf32>
        %squeeze3A_231 = vector.extract %slice3A_230[0] : f32 from vector<1xf32>
        %sub3A_232 = vector.broadcast %squeeze3A_231 : f32 to vector<16xf32>
        %sub3A_233 = arith.subf %get3A_58, %sub3A_232 : vector<16xf32>
        %slice3A_234 = vector.extract_strided_slice %get3A_90 {offsets = [6], sizes = [1], strides = [1]} : vector<16xf32> to vector<1xf32>
        %squeeze3A_235 = vector.extract %slice3A_234[0] : f32 from vector<1xf32>
        %sub3A_236 = vector.broadcast %squeeze3A_235 : f32 to vector<16xf32>
        %sub3A_237 = arith.subf %get3A_61, %sub3A_236 : vector<16xf32>
        %slice3A_238 = vector.extract_strided_slice %get3A_93 {offsets = [6], sizes = [1], strides = [1]} : vector<16xf32> to vector<1xf32>
        %squeeze3A_239 = vector.extract %slice3A_238[0] : f32 from vector<1xf32>
        %sub3A_240 = vector.broadcast %squeeze3A_239 : f32 to vector<16xf32>
        %sub3A_241 = arith.subf %get3A_64, %sub3A_240 : vector<16xf32>
        %mul3A_242 = arith.mulf %sub3A_233, %sub3A_233 : vector<16xf32>
        %mul3A_243 = arith.mulf %sub3A_237, %sub3A_237 : vector<16xf32>
        %add3A_244 = arith.addf %mul3A_242, %mul3A_243 : vector<16xf32>
        %mul3A_245 = arith.mulf %sub3A_241, %sub3A_241 : vector<16xf32>
        %add3A_246 = arith.addf %add3A_244, %mul3A_245 : vector<16xf32>
        %lt3A_247 = arith.cmpf olt, %add3A_246, %select_n3A_225 : vector<16xf32>
        %select_n3A_248 = arith.select %lt3A_247, %add3A_246, %select_n3A_225 : vector<16xi1>, vector<16xf32>
        %add3A_249 = arith.constant 6 : i32
        %add3A_250 = arith.addi %mul3A_84, %add3A_249 : i32
        %broadcast_in_dim3A_251 = vector.broadcast %add3A_250 : i32 to vector<16xi32>
        %select_n3A_252 = arith.select %lt3A_247, %broadcast_in_dim3A_251, %select_n3A_229 : vector<16xi1>, vector<16xi32>
        %slice3A_253 = vector.extract_strided_slice %get3A_87 {offsets = [7], sizes = [1], strides = [1]} : vector<16xf32> to vector<1xf32>
        %squeeze3A_254 = vector.extract %slice3A_253[0] : f32 from vector<1xf32>
        %sub3A_255 = vector.broadcast %squeeze3A_254 : f32 to vector<16xf32>
        %sub3A_256 = arith.subf %get3A_58, %sub3A_255 : vector<16xf32>
        %slice3A_257 = vector.extract_strided_slice %get3A_90 {offsets = [7], sizes = [1], strides = [1]} : vector<16xf32> to vector<1xf32>
        %squeeze3A_258 = vector.extract %slice3A_257[0] : f32 from vector<1xf32>
        %sub3A_259 = vector.broadcast %squeeze3A_258 : f32 to vector<16xf32>
        %sub3A_260 = arith.subf %get3A_61, %sub3A_259 : vector<16xf32>
        %slice3A_261 = vector.extract_strided_slice %get3A_93 {offsets = [7], sizes = [1], strides = [1]} : vector<16xf32> to vector<1xf32>
        %squeeze3A_262 = vector.extract %slice3A_261[0] : f32 from vector<1xf32>
        %sub3A_263 = vector.broadcast %squeeze3A_262 : f32 to vector<16xf32>
        %sub3A_264 = arith.subf %get3A_64, %sub3A_263 : vector<16xf32>
        %mul3A_265 = arith.mulf %sub3A_256, %sub3A_256 : vector<16xf32>
        %mul3A_266 = arith.mulf %sub3A_260, %sub3A_260 : vector<16xf32>
        %add3A_267 = arith.addf %mul3A_265, %mul3A_266 : vector<16xf32>
        %mul3A_268 = arith.mulf %sub3A_264, %sub3A_264 : vector<16xf32>
        %add3A_269 = arith.addf %add3A_267, %mul3A_268 : vector<16xf32>
        %lt3A_270 = arith.cmpf olt, %add3A_269, %select_n3A_248 : vector<16xf32>
        %select_n3A_271 = arith.select %lt3A_270, %add3A_269, %select_n3A_248 : vector<16xi1>, vector<16xf32>
        %add3A_272 = arith.constant 7 : i32
        %add3A_273 = arith.addi %mul3A_84, %add3A_272 : i32
        %broadcast_in_dim3A_274 = vector.broadcast %add3A_273 : i32 to vector<16xi32>
        %select_n3A_275 = arith.select %lt3A_270, %broadcast_in_dim3A_274, %select_n3A_252 : vector<16xi1>, vector<16xi32>
        %slice3A_276 = vector.extract_strided_slice %get3A_87 {offsets = [8], sizes = [1], strides = [1]} : vector<16xf32> to vector<1xf32>
        %squeeze3A_277 = vector.extract %slice3A_276[0] : f32 from vector<1xf32>
        %sub3A_278 = vector.broadcast %squeeze3A_277 : f32 to vector<16xf32>
        %sub3A_279 = arith.subf %get3A_58, %sub3A_278 : vector<16xf32>
        %slice3A_280 = vector.extract_strided_slice %get3A_90 {offsets = [8], sizes = [1], strides = [1]} : vector<16xf32> to vector<1xf32>
        %squeeze3A_281 = vector.extract %slice3A_280[0] : f32 from vector<1xf32>
        %sub3A_282 = vector.broadcast %squeeze3A_281 : f32 to vector<16xf32>
        %sub3A_283 = arith.subf %get3A_61, %sub3A_282 : vector<16xf32>
        %slice3A_284 = vector.extract_strided_slice %get3A_93 {offsets = [8], sizes = [1], strides = [1]} : vector<16xf32> to vector<1xf32>
        %squeeze3A_285 = vector.extract %slice3A_284[0] : f32 from vector<1xf32>
        %sub3A_286 = vector.broadcast %squeeze3A_285 : f32 to vector<16xf32>
        %sub3A_287 = arith.subf %get3A_64, %sub3A_286 : vector<16xf32>
        %mul3A_288 = arith.mulf %sub3A_279, %sub3A_279 : vector<16xf32>
        %mul3A_289 = arith.mulf %sub3A_283, %sub3A_283 : vector<16xf32>
        %add3A_290 = arith.addf %mul3A_288, %mul3A_289 : vector<16xf32>
        %mul3A_291 = arith.mulf %sub3A_287, %sub3A_287 : vector<16xf32>
        %add3A_292 = arith.addf %add3A_290, %mul3A_291 : vector<16xf32>
        %lt3A_293 = arith.cmpf olt, %add3A_292, %select_n3A_271 : vector<16xf32>
        %select_n3A_294 = arith.select %lt3A_293, %add3A_292, %select_n3A_271 : vector<16xi1>, vector<16xf32>
        %add3A_295 = arith.constant 8 : i32
        %add3A_296 = arith.addi %mul3A_84, %add3A_295 : i32
        %broadcast_in_dim3A_297 = vector.broadcast %add3A_296 : i32 to vector<16xi32>
        %select_n3A_298 = arith.select %lt3A_293, %broadcast_in_dim3A_297, %select_n3A_275 : vector<16xi1>, vector<16xi32>
        %slice3A_299 = vector.extract_strided_slice %get3A_87 {offsets = [9], sizes = [1], strides = [1]} : vector<16xf32> to vector<1xf32>
        %squeeze3A_300 = vector.extract %slice3A_299[0] : f32 from vector<1xf32>
        %sub3A_301 = vector.broadcast %squeeze3A_300 : f32 to vector<16xf32>
        %sub3A_302 = arith.subf %get3A_58, %sub3A_301 : vector<16xf32>
        %slice3A_303 = vector.extract_strided_slice %get3A_90 {offsets = [9], sizes = [1], strides = [1]} : vector<16xf32> to vector<1xf32>
        %squeeze3A_304 = vector.extract %slice3A_303[0] : f32 from vector<1xf32>
        %sub3A_305 = vector.broadcast %squeeze3A_304 : f32 to vector<16xf32>
        %sub3A_306 = arith.subf %get3A_61, %sub3A_305 : vector<16xf32>
        %slice3A_307 = vector.extract_strided_slice %get3A_93 {offsets = [9], sizes = [1], strides = [1]} : vector<16xf32> to vector<1xf32>
        %squeeze3A_308 = vector.extract %slice3A_307[0] : f32 from vector<1xf32>
        %sub3A_309 = vector.broadcast %squeeze3A_308 : f32 to vector<16xf32>
        %sub3A_310 = arith.subf %get3A_64, %sub3A_309 : vector<16xf32>
        %mul3A_311 = arith.mulf %sub3A_302, %sub3A_302 : vector<16xf32>
        %mul3A_312 = arith.mulf %sub3A_306, %sub3A_306 : vector<16xf32>
        %add3A_313 = arith.addf %mul3A_311, %mul3A_312 : vector<16xf32>
        %mul3A_314 = arith.mulf %sub3A_310, %sub3A_310 : vector<16xf32>
        %add3A_315 = arith.addf %add3A_313, %mul3A_314 : vector<16xf32>
        %lt3A_316 = arith.cmpf olt, %add3A_315, %select_n3A_294 : vector<16xf32>
        %select_n3A_317 = arith.select %lt3A_316, %add3A_315, %select_n3A_294 : vector<16xi1>, vector<16xf32>
        %add3A_318 = arith.constant 9 : i32
        %add3A_319 = arith.addi %mul3A_84, %add3A_318 : i32
        %broadcast_in_dim3A_320 = vector.broadcast %add3A_319 : i32 to vector<16xi32>
        %select_n3A_321 = arith.select %lt3A_316, %broadcast_in_dim3A_320, %select_n3A_298 : vector<16xi1>, vector<16xi32>
        %slice3A_322 = vector.extract_strided_slice %get3A_87 {offsets = [10], sizes = [1], strides = [1]} : vector<16xf32> to vector<1xf32>
        %squeeze3A_323 = vector.extract %slice3A_322[0] : f32 from vector<1xf32>
        %sub3A_324 = vector.broadcast %squeeze3A_323 : f32 to vector<16xf32>
        %sub3A_325 = arith.subf %get3A_58, %sub3A_324 : vector<16xf32>
        %slice3A_326 = vector.extract_strided_slice %get3A_90 {offsets = [10], sizes = [1], strides = [1]} : vector<16xf32> to vector<1xf32>
        %squeeze3A_327 = vector.extract %slice3A_326[0] : f32 from vector<1xf32>
        %sub3A_328 = vector.broadcast %squeeze3A_327 : f32 to vector<16xf32>
        %sub3A_329 = arith.subf %get3A_61, %sub3A_328 : vector<16xf32>
        %slice3A_330 = vector.extract_strided_slice %get3A_93 {offsets = [10], sizes = [1], strides = [1]} : vector<16xf32> to vector<1xf32>
        %squeeze3A_331 = vector.extract %slice3A_330[0] : f32 from vector<1xf32>
        %sub3A_332 = vector.broadcast %squeeze3A_331 : f32 to vector<16xf32>
        %sub3A_333 = arith.subf %get3A_64, %sub3A_332 : vector<16xf32>
        %mul3A_334 = arith.mulf %sub3A_325, %sub3A_325 : vector<16xf32>
        %mul3A_335 = arith.mulf %sub3A_329, %sub3A_329 : vector<16xf32>
        %add3A_336 = arith.addf %mul3A_334, %mul3A_335 : vector<16xf32>
        %mul3A_337 = arith.mulf %sub3A_333, %sub3A_333 : vector<16xf32>
        %add3A_338 = arith.addf %add3A_336, %mul3A_337 : vector<16xf32>
        %lt3A_339 = arith.cmpf olt, %add3A_338, %select_n3A_317 : vector<16xf32>
        %select_n3A_340 = arith.select %lt3A_339, %add3A_338, %select_n3A_317 : vector<16xi1>, vector<16xf32>
        %add3A_341 = arith.constant 10 : i32
        %add3A_342 = arith.addi %mul3A_84, %add3A_341 : i32
        %broadcast_in_dim3A_343 = vector.broadcast %add3A_342 : i32 to vector<16xi32>
        %select_n3A_344 = arith.select %lt3A_339, %broadcast_in_dim3A_343, %select_n3A_321 : vector<16xi1>, vector<16xi32>
        %slice3A_345 = vector.extract_strided_slice %get3A_87 {offsets = [11], sizes = [1], strides = [1]} : vector<16xf32> to vector<1xf32>
        %squeeze3A_346 = vector.extract %slice3A_345[0] : f32 from vector<1xf32>
        %sub3A_347 = vector.broadcast %squeeze3A_346 : f32 to vector<16xf32>
        %sub3A_348 = arith.subf %get3A_58, %sub3A_347 : vector<16xf32>
        %slice3A_349 = vector.extract_strided_slice %get3A_90 {offsets = [11], sizes = [1], strides = [1]} : vector<16xf32> to vector<1xf32>
        %squeeze3A_350 = vector.extract %slice3A_349[0] : f32 from vector<1xf32>
        %sub3A_351 = vector.broadcast %squeeze3A_350 : f32 to vector<16xf32>
        %sub3A_352 = arith.subf %get3A_61, %sub3A_351 : vector<16xf32>
        %slice3A_353 = vector.extract_strided_slice %get3A_93 {offsets = [11], sizes = [1], strides = [1]} : vector<16xf32> to vector<1xf32>
        %squeeze3A_354 = vector.extract %slice3A_353[0] : f32 from vector<1xf32>
        %sub3A_355 = vector.broadcast %squeeze3A_354 : f32 to vector<16xf32>
        %sub3A_356 = arith.subf %get3A_64, %sub3A_355 : vector<16xf32>
        %mul3A_357 = arith.mulf %sub3A_348, %sub3A_348 : vector<16xf32>
        %mul3A_358 = arith.mulf %sub3A_352, %sub3A_352 : vector<16xf32>
        %add3A_359 = arith.addf %mul3A_357, %mul3A_358 : vector<16xf32>
        %mul3A_360 = arith.mulf %sub3A_356, %sub3A_356 : vector<16xf32>
        %add3A_361 = arith.addf %add3A_359, %mul3A_360 : vector<16xf32>
        %lt3A_362 = arith.cmpf olt, %add3A_361, %select_n3A_340 : vector<16xf32>
        %select_n3A_363 = arith.select %lt3A_362, %add3A_361, %select_n3A_340 : vector<16xi1>, vector<16xf32>
        %add3A_364 = arith.constant 11 : i32
        %add3A_365 = arith.addi %mul3A_84, %add3A_364 : i32
        %broadcast_in_dim3A_366 = vector.broadcast %add3A_365 : i32 to vector<16xi32>
        %select_n3A_367 = arith.select %lt3A_362, %broadcast_in_dim3A_366, %select_n3A_344 : vector<16xi1>, vector<16xi32>
        %slice3A_368 = vector.extract_strided_slice %get3A_87 {offsets = [12], sizes = [1], strides = [1]} : vector<16xf32> to vector<1xf32>
        %squeeze3A_369 = vector.extract %slice3A_368[0] : f32 from vector<1xf32>
        %sub3A_370 = vector.broadcast %squeeze3A_369 : f32 to vector<16xf32>
        %sub3A_371 = arith.subf %get3A_58, %sub3A_370 : vector<16xf32>
        %slice3A_372 = vector.extract_strided_slice %get3A_90 {offsets = [12], sizes = [1], strides = [1]} : vector<16xf32> to vector<1xf32>
        %squeeze3A_373 = vector.extract %slice3A_372[0] : f32 from vector<1xf32>
        %sub3A_374 = vector.broadcast %squeeze3A_373 : f32 to vector<16xf32>
        %sub3A_375 = arith.subf %get3A_61, %sub3A_374 : vector<16xf32>
        %slice3A_376 = vector.extract_strided_slice %get3A_93 {offsets = [12], sizes = [1], strides = [1]} : vector<16xf32> to vector<1xf32>
        %squeeze3A_377 = vector.extract %slice3A_376[0] : f32 from vector<1xf32>
        %sub3A_378 = vector.broadcast %squeeze3A_377 : f32 to vector<16xf32>
        %sub3A_379 = arith.subf %get3A_64, %sub3A_378 : vector<16xf32>
        %mul3A_380 = arith.mulf %sub3A_371, %sub3A_371 : vector<16xf32>
        %mul3A_381 = arith.mulf %sub3A_375, %sub3A_375 : vector<16xf32>
        %add3A_382 = arith.addf %mul3A_380, %mul3A_381 : vector<16xf32>
        %mul3A_383 = arith.mulf %sub3A_379, %sub3A_379 : vector<16xf32>
        %add3A_384 = arith.addf %add3A_382, %mul3A_383 : vector<16xf32>
        %lt3A_385 = arith.cmpf olt, %add3A_384, %select_n3A_363 : vector<16xf32>
        %select_n3A_386 = arith.select %lt3A_385, %add3A_384, %select_n3A_363 : vector<16xi1>, vector<16xf32>
        %add3A_387 = arith.constant 12 : i32
        %add3A_388 = arith.addi %mul3A_84, %add3A_387 : i32
        %broadcast_in_dim3A_389 = vector.broadcast %add3A_388 : i32 to vector<16xi32>
        %select_n3A_390 = arith.select %lt3A_385, %broadcast_in_dim3A_389, %select_n3A_367 : vector<16xi1>, vector<16xi32>
        %slice3A_391 = vector.extract_strided_slice %get3A_87 {offsets = [13], sizes = [1], strides = [1]} : vector<16xf32> to vector<1xf32>
        %squeeze3A_392 = vector.extract %slice3A_391[0] : f32 from vector<1xf32>
        %sub3A_393 = vector.broadcast %squeeze3A_392 : f32 to vector<16xf32>
        %sub3A_394 = arith.subf %get3A_58, %sub3A_393 : vector<16xf32>
        %slice3A_395 = vector.extract_strided_slice %get3A_90 {offsets = [13], sizes = [1], strides = [1]} : vector<16xf32> to vector<1xf32>
        %squeeze3A_396 = vector.extract %slice3A_395[0] : f32 from vector<1xf32>
        %sub3A_397 = vector.broadcast %squeeze3A_396 : f32 to vector<16xf32>
        %sub3A_398 = arith.subf %get3A_61, %sub3A_397 : vector<16xf32>
        %slice3A_399 = vector.extract_strided_slice %get3A_93 {offsets = [13], sizes = [1], strides = [1]} : vector<16xf32> to vector<1xf32>
        %squeeze3A_400 = vector.extract %slice3A_399[0] : f32 from vector<1xf32>
        %sub3A_401 = vector.broadcast %squeeze3A_400 : f32 to vector<16xf32>
        %sub3A_402 = arith.subf %get3A_64, %sub3A_401 : vector<16xf32>
        %mul3A_403 = arith.mulf %sub3A_394, %sub3A_394 : vector<16xf32>
        %mul3A_404 = arith.mulf %sub3A_398, %sub3A_398 : vector<16xf32>
        %add3A_405 = arith.addf %mul3A_403, %mul3A_404 : vector<16xf32>
        %mul3A_406 = arith.mulf %sub3A_402, %sub3A_402 : vector<16xf32>
        %add3A_407 = arith.addf %add3A_405, %mul3A_406 : vector<16xf32>
        %lt3A_408 = arith.cmpf olt, %add3A_407, %select_n3A_386 : vector<16xf32>
        %select_n3A_409 = arith.select %lt3A_408, %add3A_407, %select_n3A_386 : vector<16xi1>, vector<16xf32>
        %add3A_410 = arith.constant 13 : i32
        %add3A_411 = arith.addi %mul3A_84, %add3A_410 : i32
        %broadcast_in_dim3A_412 = vector.broadcast %add3A_411 : i32 to vector<16xi32>
        %select_n3A_413 = arith.select %lt3A_408, %broadcast_in_dim3A_412, %select_n3A_390 : vector<16xi1>, vector<16xi32>
        %slice3A_414 = vector.extract_strided_slice %get3A_87 {offsets = [14], sizes = [1], strides = [1]} : vector<16xf32> to vector<1xf32>
        %squeeze3A_415 = vector.extract %slice3A_414[0] : f32 from vector<1xf32>
        %sub3A_416 = vector.broadcast %squeeze3A_415 : f32 to vector<16xf32>
        %sub3A_417 = arith.subf %get3A_58, %sub3A_416 : vector<16xf32>
        %slice3A_418 = vector.extract_strided_slice %get3A_90 {offsets = [14], sizes = [1], strides = [1]} : vector<16xf32> to vector<1xf32>
        %squeeze3A_419 = vector.extract %slice3A_418[0] : f32 from vector<1xf32>
        %sub3A_420 = vector.broadcast %squeeze3A_419 : f32 to vector<16xf32>
        %sub3A_421 = arith.subf %get3A_61, %sub3A_420 : vector<16xf32>
        %slice3A_422 = vector.extract_strided_slice %get3A_93 {offsets = [14], sizes = [1], strides = [1]} : vector<16xf32> to vector<1xf32>
        %squeeze3A_423 = vector.extract %slice3A_422[0] : f32 from vector<1xf32>
        %sub3A_424 = vector.broadcast %squeeze3A_423 : f32 to vector<16xf32>
        %sub3A_425 = arith.subf %get3A_64, %sub3A_424 : vector<16xf32>
        %mul3A_426 = arith.mulf %sub3A_417, %sub3A_417 : vector<16xf32>
        %mul3A_427 = arith.mulf %sub3A_421, %sub3A_421 : vector<16xf32>
        %add3A_428 = arith.addf %mul3A_426, %mul3A_427 : vector<16xf32>
        %mul3A_429 = arith.mulf %sub3A_425, %sub3A_425 : vector<16xf32>
        %add3A_430 = arith.addf %add3A_428, %mul3A_429 : vector<16xf32>
        %lt3A_431 = arith.cmpf olt, %add3A_430, %select_n3A_409 : vector<16xf32>
        %select_n3A_432 = arith.select %lt3A_431, %add3A_430, %select_n3A_409 : vector<16xi1>, vector<16xf32>
        %add3A_433 = arith.constant 14 : i32
        %add3A_434 = arith.addi %mul3A_84, %add3A_433 : i32
        %broadcast_in_dim3A_435 = vector.broadcast %add3A_434 : i32 to vector<16xi32>
        %select_n3A_436 = arith.select %lt3A_431, %broadcast_in_dim3A_435, %select_n3A_413 : vector<16xi1>, vector<16xi32>
        %slice3A_437 = vector.extract_strided_slice %get3A_87 {offsets = [15], sizes = [1], strides = [1]} : vector<16xf32> to vector<1xf32>
        %squeeze3A_438 = vector.extract %slice3A_437[0] : f32 from vector<1xf32>
        %sub3A_439 = vector.broadcast %squeeze3A_438 : f32 to vector<16xf32>
        %sub3A_440 = arith.subf %get3A_58, %sub3A_439 : vector<16xf32>
        %slice3A_441 = vector.extract_strided_slice %get3A_90 {offsets = [15], sizes = [1], strides = [1]} : vector<16xf32> to vector<1xf32>
        %squeeze3A_442 = vector.extract %slice3A_441[0] : f32 from vector<1xf32>
        %sub3A_443 = vector.broadcast %squeeze3A_442 : f32 to vector<16xf32>
        %sub3A_444 = arith.subf %get3A_61, %sub3A_443 : vector<16xf32>
        %slice3A_445 = vector.extract_strided_slice %get3A_93 {offsets = [15], sizes = [1], strides = [1]} : vector<16xf32> to vector<1xf32>
        %squeeze3A_446 = vector.extract %slice3A_445[0] : f32 from vector<1xf32>
        %sub3A_447 = vector.broadcast %squeeze3A_446 : f32 to vector<16xf32>
        %sub3A_448 = arith.subf %get3A_64, %sub3A_447 : vector<16xf32>
        %mul3A_449 = arith.mulf %sub3A_440, %sub3A_440 : vector<16xf32>
        %mul3A_450 = arith.mulf %sub3A_444, %sub3A_444 : vector<16xf32>
        %add3A_451 = arith.addf %mul3A_449, %mul3A_450 : vector<16xf32>
        %mul3A_452 = arith.mulf %sub3A_448, %sub3A_448 : vector<16xf32>
        %add3A_453 = arith.addf %add3A_451, %mul3A_452 : vector<16xf32>
        %lt3A_454 = arith.cmpf olt, %add3A_453, %select_n3A_432 : vector<16xf32>
        %select_n3A_455 = arith.select %lt3A_454, %add3A_453, %select_n3A_432 : vector<16xi1>, vector<16xf32>
        %add3A_456 = arith.constant 15 : i32
        %add3A_457 = arith.addi %mul3A_84, %add3A_456 : i32
        %broadcast_in_dim3A_458 = vector.broadcast %add3A_457 : i32 to vector<16xi32>
        %select_n3A_459 = arith.select %lt3A_454, %broadcast_in_dim3A_458, %select_n3A_436 : vector<16xi1>, vector<16xi32>
        scf.yield %select_n3A_455, %select_n3A_459 : vector<16xf32>, vector<16xi32>
      }
      %scan3A_74 = arith.constant 512 : i32
      %swap3A_75 = arith.index_cast %mul3A_56 : i32 to index
      %swap3A_76 = tpu.vector_load %arg16[%swap3A_75] {strides = array<i32>} : memref<608xi32, #tpu.memory_space<vmem>>, vector<16xi32>,
      %swap3A_77 = vector.shape_cast %swap3A_76 : vector<16xi32> to vector<16xi32>
      %swap3A_78 = vector.shape_cast %scan3A_73#1 : vector<16xi32> to vector<16xi32>
      tpu.vector_store %arg16[%swap3A_75], %swap3A_78 {strides = array<i32>} : memref<608xi32, #tpu.memory_space<vmem>>, vector<16xi32>,
      %add3A_79 = arith.addf %scan3A_54, %scan3A_73#0 : vector<16xf32>
      scf.yield %add3A_79 : vector<16xf32>
    }
    %scan3A_45 = arith.constant 38 : i32
    %swap3A = arith.constant 0 : index
    %swap3A_46 = tpu.vector_load %arg17[%swap3A] {strides = array<i32>} : memref<16xf32, #tpu.memory_space<vmem>>, vector<16xf32>,
    %swap3A_47 = vector.shape_cast %swap3A_46 : vector<16xf32> to vector<16xf32>
    %swap3A_48 = vector.shape_cast %scan3A_44 : vector<16xf32> to vector<16xf32>
    tpu.vector_store %arg17[%swap3A], %swap3A_48 {strides = array<i32>} : memref<16xf32, #tpu.memory_space<vmem>>, vector<16xf32>,
    %mul3A_49 = arith.constant 608 : i32
    %mul3A_50 = arith.muli %add3A, %mul3A_49 : i32
    "tpu.region"() ({
      %run_scoped3A = tpu.sem_alloc : memref<!tpu.dma_semaphore, #tpu.memory_space<semaphore_mem>>
      %dma_start3A = tpu.memref_slice %arg8[%mul3A_50] : memref<19456xi32, #tpu.memory_space<hbm>> -> memref<608xi32, #tpu.memory_space<hbm>>
      %dma_start3A_53 = tpu.memref_slice %arg8[%mul3A_50] : memref<19456xi32, #tpu.memory_space<hbm>> -> memref<608xi32, #tpu.memory_space<hbm>>
      tpu.enqueue_dma source(%arg16 : memref<608xi32, #tpu.memory_space<vmem>>) target(%dma_start3A_53 : memref<608xi32, #tpu.memory_space<hbm>>) target_semaphore(%run_scoped3A : memref<!tpu.dma_semaphore, #tpu.memory_space<semaphore_mem>>)
      %dma_wait3A = tpu.memref_slice %arg8[%mul3A_50] : memref<19456xi32, #tpu.memory_space<hbm>> -> memref<608xi32, #tpu.memory_space<hbm>>
      %dma_wait3A_54 = tpu.memref_slice %arg8[%mul3A_50] : memref<19456xi32, #tpu.memory_space<hbm>> -> memref<608xi32, #tpu.memory_space<hbm>>
      tpu.wait_dma2 semaphore(%run_scoped3A : memref<!tpu.dma_semaphore, #tpu.memory_space<semaphore_mem>>) src(%arg16 : memref<608xi32, #tpu.memory_space<vmem>>) dst(%dma_wait3A_54 : memref<608xi32, #tpu.memory_space<hbm>>)
      tpu.yield
    }) : () -> ()
    %mul3A_51 = arith.constant 16 : i32
    %mul3A_52 = arith.muli %add3A, %mul3A_51 : i32
    "tpu.region"() ({
      %run_scoped3A = tpu.sem_alloc : memref<!tpu.dma_semaphore, #tpu.memory_space<semaphore_mem>>
      %dma_start3A = tpu.memref_slice %arg9[%mul3A_52] : memref<512xf32, #tpu.memory_space<hbm>> -> memref<16xf32, #tpu.memory_space<hbm>>
      %dma_start3A_53 = tpu.memref_slice %arg9[%mul3A_52] : memref<512xf32, #tpu.memory_space<hbm>> -> memref<16xf32, #tpu.memory_space<hbm>>
      tpu.enqueue_dma source(%arg17 : memref<16xf32, #tpu.memory_space<vmem>>) target(%dma_start3A_53 : memref<16xf32, #tpu.memory_space<hbm>>) target_semaphore(%run_scoped3A : memref<!tpu.dma_semaphore, #tpu.memory_space<semaphore_mem>>)
      %dma_wait3A = tpu.memref_slice %arg9[%mul3A_52] : memref<512xf32, #tpu.memory_space<hbm>> -> memref<16xf32, #tpu.memory_space<hbm>>
      %dma_wait3A_54 = tpu.memref_slice %arg9[%mul3A_52] : memref<512xf32, #tpu.memory_space<hbm>> -> memref<16xf32, #tpu.memory_space<hbm>>
      tpu.wait_dma2 semaphore(%run_scoped3A : memref<!tpu.dma_semaphore, #tpu.memory_space<semaphore_mem>>) src(%arg17 : memref<16xf32, #tpu.memory_space<vmem>>) dst(%dma_wait3A_54 : memref<16xf32, #tpu.memory_space<hbm>>)
      tpu.yield
    }) : () -> ()
    return
  }
}

module attributes {stable_mosaic.version = 14 : i64} {
  func.func @_tc_kernel(%arg0: i32, %arg1: i32, %arg2: memref<1x64x3xf32, #tpu.memory_space<vmem>>, %arg3: memref<1x3x8192xf32, #tpu.memory_space<vmem>>, %arg4: memref<1x1xf32, #tpu.memory_space<smem>>, %arg5: memref<1x64x1xi32, #tpu.memory_space<vmem>>) attributes {dimension_semantics = [#tpu.dimension_semantics<arbitrary>, #tpu.dimension_semantics<arbitrary>], iteration_bounds = array<i64: 8, 90>, scalar_prefetch = 0 : i64, scratch_operands = 0 : i64, tpu.core_type = #tpu.core_type<tc>, window_params = [{transform_indices = @transform_0, window_bounds = array<i64: 1, 64, 3>}, {transform_indices = @transform_1, window_bounds = array<i64: 1, 3, 8192>}, {transform_indices = @transform_2, window_bounds = array<i64: 1, 1>}, {transform_indices = @transform_3, window_bounds = array<i64: 1, 64, 1>}]} {
    %get3A = arith.constant 0 : index
    %get3A_0 = arith.constant 0 : index
    %get3A_1 = arith.constant 0 : index
    %get3A_2 = vector.load %arg2[%get3A, %get3A_0, %get3A_1] : memref<1x64x3xf32, #tpu.memory_space<vmem>>, vector<1x64x1xf32>
    %get3A_3 = vector.shape_cast %get3A_2 : vector<1x64x1xf32> to vector<64x1xf32>
    %broadcast_in_dim3A = vector.shape_cast %get3A_3 : vector<64x1xf32> to vector<64x1xf32>
    %broadcast_in_dim3A_4 = vector.broadcast %broadcast_in_dim3A : vector<64x1xf32> to vector<64x128xf32>
    %get3A_5 = arith.constant 0 : index
    %get3A_6 = arith.constant 0 : index
    %get3A_7 = arith.constant 1 : index
    %get3A_8 = vector.load %arg2[%get3A_5, %get3A_6, %get3A_7] : memref<1x64x3xf32, #tpu.memory_space<vmem>>, vector<1x64x1xf32>
    %get3A_9 = vector.shape_cast %get3A_8 : vector<1x64x1xf32> to vector<64x1xf32>
    %broadcast_in_dim3A_10 = vector.shape_cast %get3A_9 : vector<64x1xf32> to vector<64x1xf32>
    %broadcast_in_dim3A_11 = vector.broadcast %broadcast_in_dim3A_10 : vector<64x1xf32> to vector<64x128xf32>
    %get3A_12 = arith.constant 0 : index
    %get3A_13 = arith.constant 0 : index
    %get3A_14 = arith.constant 2 : index
    %get3A_15 = vector.load %arg2[%get3A_12, %get3A_13, %get3A_14] : memref<1x64x3xf32, #tpu.memory_space<vmem>>, vector<1x64x1xf32>
    %get3A_16 = vector.shape_cast %get3A_15 : vector<1x64x1xf32> to vector<64x1xf32>
    %broadcast_in_dim3A_17 = vector.shape_cast %get3A_16 : vector<64x1xf32> to vector<64x1xf32>
    %broadcast_in_dim3A_18 = vector.broadcast %broadcast_in_dim3A_17 : vector<64x1xf32> to vector<64x128xf32>
    %broadcast_in_dim3A_19 = arith.constant 0x7F800000 : f32
    %broadcast_in_dim3A_20 = vector.broadcast %broadcast_in_dim3A_19 : f32 to vector<64x128xf32>
    %broadcast_in_dim3A_21 = arith.constant 0 : i32
    %broadcast_in_dim3A_22 = vector.broadcast %broadcast_in_dim3A_21 : i32 to vector<64x128xi32>
    %scan3A = arith.constant 0 : i32
    %scan3A_23 = arith.constant 64 : i32
    %scan3A_24 = arith.addi %scan3A, %scan3A_23 : i32
    %scan3A_25 = arith.constant 8 : i32
    %scan3A_26:2 = scf.for %scan3A_58 = %scan3A to %scan3A_24 step %scan3A_25 iter_args(%scan3A_59 = %broadcast_in_dim3A_20, %scan3A_60 = %broadcast_in_dim3A_22) -> (vector<64x128xf32>, vector<64x128xi32>)  : i32 {
      %mul3A_61 = arith.constant 128 : i32
      %mul3A_62 = arith.muli %scan3A_58, %mul3A_61 : i32
      %get3A_63 = arith.constant 0 : index
      %get3A_64 = arith.constant 0 : index
      %get3A_65 = arith.index_cast %mul3A_62 : i32 to index
      %get3A_66 = vector.load %arg3[%get3A_63, %get3A_64, %get3A_65] : memref<1x3x8192xf32, #tpu.memory_space<vmem>>, vector<1x1x128xf32>
      %get3A_67 = vector.shape_cast %get3A_66 : vector<1x1x128xf32> to vector<1x128xf32>
      %get3A_68 = arith.constant 0 : index
      %get3A_69 = arith.constant 1 : index
      %get3A_70 = arith.index_cast %mul3A_62 : i32 to index
      %get3A_71 = vector.load %arg3[%get3A_68, %get3A_69, %get3A_70] : memref<1x3x8192xf32, #tpu.memory_space<vmem>>, vector<1x1x128xf32>
      %get3A_72 = vector.shape_cast %get3A_71 : vector<1x1x128xf32> to vector<1x128xf32>
      %get3A_73 = arith.constant 0 : index
      %get3A_74 = arith.constant 2 : index
      %get3A_75 = arith.index_cast %mul3A_62 : i32 to index
      %get3A_76 = vector.load %arg3[%get3A_73, %get3A_74, %get3A_75] : memref<1x3x8192xf32, #tpu.memory_space<vmem>>, vector<1x1x128xf32>
      %get3A_77 = vector.shape_cast %get3A_76 : vector<1x1x128xf32> to vector<1x128xf32>
      %sub3A = vector.broadcast %get3A_67 : vector<1x128xf32> to vector<64x128xf32>
      %sub3A_78 = arith.subf %broadcast_in_dim3A_4, %sub3A : vector<64x128xf32>
      %sub3A_79 = vector.broadcast %get3A_72 : vector<1x128xf32> to vector<64x128xf32>
      %sub3A_80 = arith.subf %broadcast_in_dim3A_11, %sub3A_79 : vector<64x128xf32>
      %sub3A_81 = vector.broadcast %get3A_77 : vector<1x128xf32> to vector<64x128xf32>
      %sub3A_82 = arith.subf %broadcast_in_dim3A_18, %sub3A_81 : vector<64x128xf32>
      %mul3A_83 = arith.mulf %sub3A_78, %sub3A_78 : vector<64x128xf32>
      %mul3A_84 = arith.mulf %sub3A_80, %sub3A_80 : vector<64x128xf32>
      %add3A_85 = arith.addf %mul3A_83, %mul3A_84 : vector<64x128xf32>
      %mul3A_86 = arith.mulf %sub3A_82, %sub3A_82 : vector<64x128xf32>
      %add3A_87 = arith.addf %add3A_85, %mul3A_86 : vector<64x128xf32>
      %lt3A = arith.cmpf olt, %add3A_87, %scan3A_59 : vector<64x128xf32>
      %select_n3A_88 = arith.select %lt3A, %add3A_87, %scan3A_59 : vector<64x128xi1>, vector<64x128xf32>
      %broadcast_in_dim3A_89 = vector.broadcast %scan3A_58 : i32 to vector<64x128xi32>
      %select_n3A_90 = arith.select %lt3A, %broadcast_in_dim3A_89, %scan3A_60 : vector<64x128xi1>, vector<64x128xi32>
      %scan3A_91 = arith.constant 1 : i32
      %scan3A_92 = arith.addi %scan3A_58, %scan3A_91 : i32
      %mul3A_93 = arith.constant 128 : i32
      %mul3A_94 = arith.muli %scan3A_92, %mul3A_93 : i32
      %get3A_95 = arith.constant 0 : index
      %get3A_96 = arith.constant 0 : index
      %get3A_97 = arith.index_cast %mul3A_94 : i32 to index
      %get3A_98 = vector.load %arg3[%get3A_95, %get3A_96, %get3A_97] : memref<1x3x8192xf32, #tpu.memory_space<vmem>>, vector<1x1x128xf32>
      %get3A_99 = vector.shape_cast %get3A_98 : vector<1x1x128xf32> to vector<1x128xf32>
      %get3A_100 = arith.constant 0 : index
      %get3A_101 = arith.constant 1 : index
      %get3A_102 = arith.index_cast %mul3A_94 : i32 to index
      %get3A_103 = vector.load %arg3[%get3A_100, %get3A_101, %get3A_102] : memref<1x3x8192xf32, #tpu.memory_space<vmem>>, vector<1x1x128xf32>
      %get3A_104 = vector.shape_cast %get3A_103 : vector<1x1x128xf32> to vector<1x128xf32>
      %get3A_105 = arith.constant 0 : index
      %get3A_106 = arith.constant 2 : index
      %get3A_107 = arith.index_cast %mul3A_94 : i32 to index
      %get3A_108 = vector.load %arg3[%get3A_105, %get3A_106, %get3A_107] : memref<1x3x8192xf32, #tpu.memory_space<vmem>>, vector<1x1x128xf32>
      %get3A_109 = vector.shape_cast %get3A_108 : vector<1x1x128xf32> to vector<1x128xf32>
      %sub3A_110 = vector.broadcast %get3A_99 : vector<1x128xf32> to vector<64x128xf32>
      %sub3A_111 = arith.subf %broadcast_in_dim3A_4, %sub3A_110 : vector<64x128xf32>
      %sub3A_112 = vector.broadcast %get3A_104 : vector<1x128xf32> to vector<64x128xf32>
      %sub3A_113 = arith.subf %broadcast_in_dim3A_11, %sub3A_112 : vector<64x128xf32>
      %sub3A_114 = vector.broadcast %get3A_109 : vector<1x128xf32> to vector<64x128xf32>
      %sub3A_115 = arith.subf %broadcast_in_dim3A_18, %sub3A_114 : vector<64x128xf32>
      %mul3A_116 = arith.mulf %sub3A_111, %sub3A_111 : vector<64x128xf32>
      %mul3A_117 = arith.mulf %sub3A_113, %sub3A_113 : vector<64x128xf32>
      %add3A_118 = arith.addf %mul3A_116, %mul3A_117 : vector<64x128xf32>
      %mul3A_119 = arith.mulf %sub3A_115, %sub3A_115 : vector<64x128xf32>
      %add3A_120 = arith.addf %add3A_118, %mul3A_119 : vector<64x128xf32>
      %lt3A_121 = arith.cmpf olt, %add3A_120, %select_n3A_88 : vector<64x128xf32>
      %select_n3A_122 = arith.select %lt3A_121, %add3A_120, %select_n3A_88 : vector<64x128xi1>, vector<64x128xf32>
      %broadcast_in_dim3A_123 = vector.broadcast %scan3A_92 : i32 to vector<64x128xi32>
      %select_n3A_124 = arith.select %lt3A_121, %broadcast_in_dim3A_123, %select_n3A_90 : vector<64x128xi1>, vector<64x128xi32>
      %scan3A_125 = arith.constant 2 : i32
      %scan3A_126 = arith.addi %scan3A_58, %scan3A_125 : i32
      %mul3A_127 = arith.constant 128 : i32
      %mul3A_128 = arith.muli %scan3A_126, %mul3A_127 : i32
      %get3A_129 = arith.constant 0 : index
      %get3A_130 = arith.constant 0 : index
      %get3A_131 = arith.index_cast %mul3A_128 : i32 to index
      %get3A_132 = vector.load %arg3[%get3A_129, %get3A_130, %get3A_131] : memref<1x3x8192xf32, #tpu.memory_space<vmem>>, vector<1x1x128xf32>
      %get3A_133 = vector.shape_cast %get3A_132 : vector<1x1x128xf32> to vector<1x128xf32>
      %get3A_134 = arith.constant 0 : index
      %get3A_135 = arith.constant 1 : index
      %get3A_136 = arith.index_cast %mul3A_128 : i32 to index
      %get3A_137 = vector.load %arg3[%get3A_134, %get3A_135, %get3A_136] : memref<1x3x8192xf32, #tpu.memory_space<vmem>>, vector<1x1x128xf32>
      %get3A_138 = vector.shape_cast %get3A_137 : vector<1x1x128xf32> to vector<1x128xf32>
      %get3A_139 = arith.constant 0 : index
      %get3A_140 = arith.constant 2 : index
      %get3A_141 = arith.index_cast %mul3A_128 : i32 to index
      %get3A_142 = vector.load %arg3[%get3A_139, %get3A_140, %get3A_141] : memref<1x3x8192xf32, #tpu.memory_space<vmem>>, vector<1x1x128xf32>
      %get3A_143 = vector.shape_cast %get3A_142 : vector<1x1x128xf32> to vector<1x128xf32>
      %sub3A_144 = vector.broadcast %get3A_133 : vector<1x128xf32> to vector<64x128xf32>
      %sub3A_145 = arith.subf %broadcast_in_dim3A_4, %sub3A_144 : vector<64x128xf32>
      %sub3A_146 = vector.broadcast %get3A_138 : vector<1x128xf32> to vector<64x128xf32>
      %sub3A_147 = arith.subf %broadcast_in_dim3A_11, %sub3A_146 : vector<64x128xf32>
      %sub3A_148 = vector.broadcast %get3A_143 : vector<1x128xf32> to vector<64x128xf32>
      %sub3A_149 = arith.subf %broadcast_in_dim3A_18, %sub3A_148 : vector<64x128xf32>
      %mul3A_150 = arith.mulf %sub3A_145, %sub3A_145 : vector<64x128xf32>
      %mul3A_151 = arith.mulf %sub3A_147, %sub3A_147 : vector<64x128xf32>
      %add3A_152 = arith.addf %mul3A_150, %mul3A_151 : vector<64x128xf32>
      %mul3A_153 = arith.mulf %sub3A_149, %sub3A_149 : vector<64x128xf32>
      %add3A_154 = arith.addf %add3A_152, %mul3A_153 : vector<64x128xf32>
      %lt3A_155 = arith.cmpf olt, %add3A_154, %select_n3A_122 : vector<64x128xf32>
      %select_n3A_156 = arith.select %lt3A_155, %add3A_154, %select_n3A_122 : vector<64x128xi1>, vector<64x128xf32>
      %broadcast_in_dim3A_157 = vector.broadcast %scan3A_126 : i32 to vector<64x128xi32>
      %select_n3A_158 = arith.select %lt3A_155, %broadcast_in_dim3A_157, %select_n3A_124 : vector<64x128xi1>, vector<64x128xi32>
      %scan3A_159 = arith.constant 3 : i32
      %scan3A_160 = arith.addi %scan3A_58, %scan3A_159 : i32
      %mul3A_161 = arith.constant 128 : i32
      %mul3A_162 = arith.muli %scan3A_160, %mul3A_161 : i32
      %get3A_163 = arith.constant 0 : index
      %get3A_164 = arith.constant 0 : index
      %get3A_165 = arith.index_cast %mul3A_162 : i32 to index
      %get3A_166 = vector.load %arg3[%get3A_163, %get3A_164, %get3A_165] : memref<1x3x8192xf32, #tpu.memory_space<vmem>>, vector<1x1x128xf32>
      %get3A_167 = vector.shape_cast %get3A_166 : vector<1x1x128xf32> to vector<1x128xf32>
      %get3A_168 = arith.constant 0 : index
      %get3A_169 = arith.constant 1 : index
      %get3A_170 = arith.index_cast %mul3A_162 : i32 to index
      %get3A_171 = vector.load %arg3[%get3A_168, %get3A_169, %get3A_170] : memref<1x3x8192xf32, #tpu.memory_space<vmem>>, vector<1x1x128xf32>
      %get3A_172 = vector.shape_cast %get3A_171 : vector<1x1x128xf32> to vector<1x128xf32>
      %get3A_173 = arith.constant 0 : index
      %get3A_174 = arith.constant 2 : index
      %get3A_175 = arith.index_cast %mul3A_162 : i32 to index
      %get3A_176 = vector.load %arg3[%get3A_173, %get3A_174, %get3A_175] : memref<1x3x8192xf32, #tpu.memory_space<vmem>>, vector<1x1x128xf32>
      %get3A_177 = vector.shape_cast %get3A_176 : vector<1x1x128xf32> to vector<1x128xf32>
      %sub3A_178 = vector.broadcast %get3A_167 : vector<1x128xf32> to vector<64x128xf32>
      %sub3A_179 = arith.subf %broadcast_in_dim3A_4, %sub3A_178 : vector<64x128xf32>
      %sub3A_180 = vector.broadcast %get3A_172 : vector<1x128xf32> to vector<64x128xf32>
      %sub3A_181 = arith.subf %broadcast_in_dim3A_11, %sub3A_180 : vector<64x128xf32>
      %sub3A_182 = vector.broadcast %get3A_177 : vector<1x128xf32> to vector<64x128xf32>
      %sub3A_183 = arith.subf %broadcast_in_dim3A_18, %sub3A_182 : vector<64x128xf32>
      %mul3A_184 = arith.mulf %sub3A_179, %sub3A_179 : vector<64x128xf32>
      %mul3A_185 = arith.mulf %sub3A_181, %sub3A_181 : vector<64x128xf32>
      %add3A_186 = arith.addf %mul3A_184, %mul3A_185 : vector<64x128xf32>
      %mul3A_187 = arith.mulf %sub3A_183, %sub3A_183 : vector<64x128xf32>
      %add3A_188 = arith.addf %add3A_186, %mul3A_187 : vector<64x128xf32>
      %lt3A_189 = arith.cmpf olt, %add3A_188, %select_n3A_156 : vector<64x128xf32>
      %select_n3A_190 = arith.select %lt3A_189, %add3A_188, %select_n3A_156 : vector<64x128xi1>, vector<64x128xf32>
      %broadcast_in_dim3A_191 = vector.broadcast %scan3A_160 : i32 to vector<64x128xi32>
      %select_n3A_192 = arith.select %lt3A_189, %broadcast_in_dim3A_191, %select_n3A_158 : vector<64x128xi1>, vector<64x128xi32>
      %scan3A_193 = arith.constant 4 : i32
      %scan3A_194 = arith.addi %scan3A_58, %scan3A_193 : i32
      %mul3A_195 = arith.constant 128 : i32
      %mul3A_196 = arith.muli %scan3A_194, %mul3A_195 : i32
      %get3A_197 = arith.constant 0 : index
      %get3A_198 = arith.constant 0 : index
      %get3A_199 = arith.index_cast %mul3A_196 : i32 to index
      %get3A_200 = vector.load %arg3[%get3A_197, %get3A_198, %get3A_199] : memref<1x3x8192xf32, #tpu.memory_space<vmem>>, vector<1x1x128xf32>
      %get3A_201 = vector.shape_cast %get3A_200 : vector<1x1x128xf32> to vector<1x128xf32>
      %get3A_202 = arith.constant 0 : index
      %get3A_203 = arith.constant 1 : index
      %get3A_204 = arith.index_cast %mul3A_196 : i32 to index
      %get3A_205 = vector.load %arg3[%get3A_202, %get3A_203, %get3A_204] : memref<1x3x8192xf32, #tpu.memory_space<vmem>>, vector<1x1x128xf32>
      %get3A_206 = vector.shape_cast %get3A_205 : vector<1x1x128xf32> to vector<1x128xf32>
      %get3A_207 = arith.constant 0 : index
      %get3A_208 = arith.constant 2 : index
      %get3A_209 = arith.index_cast %mul3A_196 : i32 to index
      %get3A_210 = vector.load %arg3[%get3A_207, %get3A_208, %get3A_209] : memref<1x3x8192xf32, #tpu.memory_space<vmem>>, vector<1x1x128xf32>
      %get3A_211 = vector.shape_cast %get3A_210 : vector<1x1x128xf32> to vector<1x128xf32>
      %sub3A_212 = vector.broadcast %get3A_201 : vector<1x128xf32> to vector<64x128xf32>
      %sub3A_213 = arith.subf %broadcast_in_dim3A_4, %sub3A_212 : vector<64x128xf32>
      %sub3A_214 = vector.broadcast %get3A_206 : vector<1x128xf32> to vector<64x128xf32>
      %sub3A_215 = arith.subf %broadcast_in_dim3A_11, %sub3A_214 : vector<64x128xf32>
      %sub3A_216 = vector.broadcast %get3A_211 : vector<1x128xf32> to vector<64x128xf32>
      %sub3A_217 = arith.subf %broadcast_in_dim3A_18, %sub3A_216 : vector<64x128xf32>
      %mul3A_218 = arith.mulf %sub3A_213, %sub3A_213 : vector<64x128xf32>
      %mul3A_219 = arith.mulf %sub3A_215, %sub3A_215 : vector<64x128xf32>
      %add3A_220 = arith.addf %mul3A_218, %mul3A_219 : vector<64x128xf32>
      %mul3A_221 = arith.mulf %sub3A_217, %sub3A_217 : vector<64x128xf32>
      %add3A_222 = arith.addf %add3A_220, %mul3A_221 : vector<64x128xf32>
      %lt3A_223 = arith.cmpf olt, %add3A_222, %select_n3A_190 : vector<64x128xf32>
      %select_n3A_224 = arith.select %lt3A_223, %add3A_222, %select_n3A_190 : vector<64x128xi1>, vector<64x128xf32>
      %broadcast_in_dim3A_225 = vector.broadcast %scan3A_194 : i32 to vector<64x128xi32>
      %select_n3A_226 = arith.select %lt3A_223, %broadcast_in_dim3A_225, %select_n3A_192 : vector<64x128xi1>, vector<64x128xi32>
      %scan3A_227 = arith.constant 5 : i32
      %scan3A_228 = arith.addi %scan3A_58, %scan3A_227 : i32
      %mul3A_229 = arith.constant 128 : i32
      %mul3A_230 = arith.muli %scan3A_228, %mul3A_229 : i32
      %get3A_231 = arith.constant 0 : index
      %get3A_232 = arith.constant 0 : index
      %get3A_233 = arith.index_cast %mul3A_230 : i32 to index
      %get3A_234 = vector.load %arg3[%get3A_231, %get3A_232, %get3A_233] : memref<1x3x8192xf32, #tpu.memory_space<vmem>>, vector<1x1x128xf32>
      %get3A_235 = vector.shape_cast %get3A_234 : vector<1x1x128xf32> to vector<1x128xf32>
      %get3A_236 = arith.constant 0 : index
      %get3A_237 = arith.constant 1 : index
      %get3A_238 = arith.index_cast %mul3A_230 : i32 to index
      %get3A_239 = vector.load %arg3[%get3A_236, %get3A_237, %get3A_238] : memref<1x3x8192xf32, #tpu.memory_space<vmem>>, vector<1x1x128xf32>
      %get3A_240 = vector.shape_cast %get3A_239 : vector<1x1x128xf32> to vector<1x128xf32>
      %get3A_241 = arith.constant 0 : index
      %get3A_242 = arith.constant 2 : index
      %get3A_243 = arith.index_cast %mul3A_230 : i32 to index
      %get3A_244 = vector.load %arg3[%get3A_241, %get3A_242, %get3A_243] : memref<1x3x8192xf32, #tpu.memory_space<vmem>>, vector<1x1x128xf32>
      %get3A_245 = vector.shape_cast %get3A_244 : vector<1x1x128xf32> to vector<1x128xf32>
      %sub3A_246 = vector.broadcast %get3A_235 : vector<1x128xf32> to vector<64x128xf32>
      %sub3A_247 = arith.subf %broadcast_in_dim3A_4, %sub3A_246 : vector<64x128xf32>
      %sub3A_248 = vector.broadcast %get3A_240 : vector<1x128xf32> to vector<64x128xf32>
      %sub3A_249 = arith.subf %broadcast_in_dim3A_11, %sub3A_248 : vector<64x128xf32>
      %sub3A_250 = vector.broadcast %get3A_245 : vector<1x128xf32> to vector<64x128xf32>
      %sub3A_251 = arith.subf %broadcast_in_dim3A_18, %sub3A_250 : vector<64x128xf32>
      %mul3A_252 = arith.mulf %sub3A_247, %sub3A_247 : vector<64x128xf32>
      %mul3A_253 = arith.mulf %sub3A_249, %sub3A_249 : vector<64x128xf32>
      %add3A_254 = arith.addf %mul3A_252, %mul3A_253 : vector<64x128xf32>
      %mul3A_255 = arith.mulf %sub3A_251, %sub3A_251 : vector<64x128xf32>
      %add3A_256 = arith.addf %add3A_254, %mul3A_255 : vector<64x128xf32>
      %lt3A_257 = arith.cmpf olt, %add3A_256, %select_n3A_224 : vector<64x128xf32>
      %select_n3A_258 = arith.select %lt3A_257, %add3A_256, %select_n3A_224 : vector<64x128xi1>, vector<64x128xf32>
      %broadcast_in_dim3A_259 = vector.broadcast %scan3A_228 : i32 to vector<64x128xi32>
      %select_n3A_260 = arith.select %lt3A_257, %broadcast_in_dim3A_259, %select_n3A_226 : vector<64x128xi1>, vector<64x128xi32>
      %scan3A_261 = arith.constant 6 : i32
      %scan3A_262 = arith.addi %scan3A_58, %scan3A_261 : i32
      %mul3A_263 = arith.constant 128 : i32
      %mul3A_264 = arith.muli %scan3A_262, %mul3A_263 : i32
      %get3A_265 = arith.constant 0 : index
      %get3A_266 = arith.constant 0 : index
      %get3A_267 = arith.index_cast %mul3A_264 : i32 to index
      %get3A_268 = vector.load %arg3[%get3A_265, %get3A_266, %get3A_267] : memref<1x3x8192xf32, #tpu.memory_space<vmem>>, vector<1x1x128xf32>
      %get3A_269 = vector.shape_cast %get3A_268 : vector<1x1x128xf32> to vector<1x128xf32>
      %get3A_270 = arith.constant 0 : index
      %get3A_271 = arith.constant 1 : index
      %get3A_272 = arith.index_cast %mul3A_264 : i32 to index
      %get3A_273 = vector.load %arg3[%get3A_270, %get3A_271, %get3A_272] : memref<1x3x8192xf32, #tpu.memory_space<vmem>>, vector<1x1x128xf32>
      %get3A_274 = vector.shape_cast %get3A_273 : vector<1x1x128xf32> to vector<1x128xf32>
      %get3A_275 = arith.constant 0 : index
      %get3A_276 = arith.constant 2 : index
      %get3A_277 = arith.index_cast %mul3A_264 : i32 to index
      %get3A_278 = vector.load %arg3[%get3A_275, %get3A_276, %get3A_277] : memref<1x3x8192xf32, #tpu.memory_space<vmem>>, vector<1x1x128xf32>
      %get3A_279 = vector.shape_cast %get3A_278 : vector<1x1x128xf32> to vector<1x128xf32>
      %sub3A_280 = vector.broadcast %get3A_269 : vector<1x128xf32> to vector<64x128xf32>
      %sub3A_281 = arith.subf %broadcast_in_dim3A_4, %sub3A_280 : vector<64x128xf32>
      %sub3A_282 = vector.broadcast %get3A_274 : vector<1x128xf32> to vector<64x128xf32>
      %sub3A_283 = arith.subf %broadcast_in_dim3A_11, %sub3A_282 : vector<64x128xf32>
      %sub3A_284 = vector.broadcast %get3A_279 : vector<1x128xf32> to vector<64x128xf32>
      %sub3A_285 = arith.subf %broadcast_in_dim3A_18, %sub3A_284 : vector<64x128xf32>
      %mul3A_286 = arith.mulf %sub3A_281, %sub3A_281 : vector<64x128xf32>
      %mul3A_287 = arith.mulf %sub3A_283, %sub3A_283 : vector<64x128xf32>
      %add3A_288 = arith.addf %mul3A_286, %mul3A_287 : vector<64x128xf32>
      %mul3A_289 = arith.mulf %sub3A_285, %sub3A_285 : vector<64x128xf32>
      %add3A_290 = arith.addf %add3A_288, %mul3A_289 : vector<64x128xf32>
      %lt3A_291 = arith.cmpf olt, %add3A_290, %select_n3A_258 : vector<64x128xf32>
      %select_n3A_292 = arith.select %lt3A_291, %add3A_290, %select_n3A_258 : vector<64x128xi1>, vector<64x128xf32>
      %broadcast_in_dim3A_293 = vector.broadcast %scan3A_262 : i32 to vector<64x128xi32>
      %select_n3A_294 = arith.select %lt3A_291, %broadcast_in_dim3A_293, %select_n3A_260 : vector<64x128xi1>, vector<64x128xi32>
      %scan3A_295 = arith.constant 7 : i32
      %scan3A_296 = arith.addi %scan3A_58, %scan3A_295 : i32
      %mul3A_297 = arith.constant 128 : i32
      %mul3A_298 = arith.muli %scan3A_296, %mul3A_297 : i32
      %get3A_299 = arith.constant 0 : index
      %get3A_300 = arith.constant 0 : index
      %get3A_301 = arith.index_cast %mul3A_298 : i32 to index
      %get3A_302 = vector.load %arg3[%get3A_299, %get3A_300, %get3A_301] : memref<1x3x8192xf32, #tpu.memory_space<vmem>>, vector<1x1x128xf32>
      %get3A_303 = vector.shape_cast %get3A_302 : vector<1x1x128xf32> to vector<1x128xf32>
      %get3A_304 = arith.constant 0 : index
      %get3A_305 = arith.constant 1 : index
      %get3A_306 = arith.index_cast %mul3A_298 : i32 to index
      %get3A_307 = vector.load %arg3[%get3A_304, %get3A_305, %get3A_306] : memref<1x3x8192xf32, #tpu.memory_space<vmem>>, vector<1x1x128xf32>
      %get3A_308 = vector.shape_cast %get3A_307 : vector<1x1x128xf32> to vector<1x128xf32>
      %get3A_309 = arith.constant 0 : index
      %get3A_310 = arith.constant 2 : index
      %get3A_311 = arith.index_cast %mul3A_298 : i32 to index
      %get3A_312 = vector.load %arg3[%get3A_309, %get3A_310, %get3A_311] : memref<1x3x8192xf32, #tpu.memory_space<vmem>>, vector<1x1x128xf32>
      %get3A_313 = vector.shape_cast %get3A_312 : vector<1x1x128xf32> to vector<1x128xf32>
      %sub3A_314 = vector.broadcast %get3A_303 : vector<1x128xf32> to vector<64x128xf32>
      %sub3A_315 = arith.subf %broadcast_in_dim3A_4, %sub3A_314 : vector<64x128xf32>
      %sub3A_316 = vector.broadcast %get3A_308 : vector<1x128xf32> to vector<64x128xf32>
      %sub3A_317 = arith.subf %broadcast_in_dim3A_11, %sub3A_316 : vector<64x128xf32>
      %sub3A_318 = vector.broadcast %get3A_313 : vector<1x128xf32> to vector<64x128xf32>
      %sub3A_319 = arith.subf %broadcast_in_dim3A_18, %sub3A_318 : vector<64x128xf32>
      %mul3A_320 = arith.mulf %sub3A_315, %sub3A_315 : vector<64x128xf32>
      %mul3A_321 = arith.mulf %sub3A_317, %sub3A_317 : vector<64x128xf32>
      %add3A_322 = arith.addf %mul3A_320, %mul3A_321 : vector<64x128xf32>
      %mul3A_323 = arith.mulf %sub3A_319, %sub3A_319 : vector<64x128xf32>
      %add3A_324 = arith.addf %add3A_322, %mul3A_323 : vector<64x128xf32>
      %lt3A_325 = arith.cmpf olt, %add3A_324, %select_n3A_292 : vector<64x128xf32>
      %select_n3A_326 = arith.select %lt3A_325, %add3A_324, %select_n3A_292 : vector<64x128xi1>, vector<64x128xf32>
      %broadcast_in_dim3A_327 = vector.broadcast %scan3A_296 : i32 to vector<64x128xi32>
      %select_n3A_328 = arith.select %lt3A_325, %broadcast_in_dim3A_327, %select_n3A_294 : vector<64x128xi1>, vector<64x128xi32>
      scf.yield %select_n3A_326, %select_n3A_328 : vector<64x128xf32>, vector<64x128xi32>
    }
    %scan3A_27 = arith.constant 64 : i32
    %iota3A = tpu.iota {dimensions = array<i32: 1>} : vector<64x128xi32>
    %mul3A = arith.constant 128 : i32
    %mul3A_28 = vector.broadcast %mul3A : i32 to vector<64x128xi32>
    %mul3A_29 = arith.muli %scan3A_26#1, %mul3A_28 : vector<64x128xi32>
    %add3A = arith.addi %mul3A_29, %iota3A : vector<64x128xi32>
    %reduce_min3A = arith.constant dense<0x7F800000> : vector<64xf32>
    %reduce_min3A_30 = vector.multi_reduction <minimumf>, %scan3A_26#0, %reduce_min3A [1] : vector<64x128xf32> to vector<64xf32>
    %broadcast_in_dim3A_31 = vector.shape_cast %reduce_min3A_30 : vector<64xf32> to vector<64x1xf32>
    %eq3A = vector.broadcast %broadcast_in_dim3A_31 : vector<64x1xf32> to vector<64x128xf32>
    %eq3A_32 = arith.cmpf oeq, %scan3A_26#0, %eq3A : vector<64x128xf32>
    %jit3A = arith.constant 1073741824 : i32
    %broadcast_in_dim3A_33 = vector.broadcast %jit3A : i32 to vector<64x128xi32>
    %select_n3A = arith.select %eq3A_32, %add3A, %broadcast_in_dim3A_33 : vector<64x128xi1>, vector<64x128xi32>
    %reduce_min3A_34 = arith.constant dense<2147483647> : vector<64xi32>
    %reduce_min3A_35 = vector.multi_reduction <minsi>, %select_n3A, %reduce_min3A_34 [1] : vector<64x128xi32> to vector<64xi32>
    %broadcast_in_dim3A_36 = vector.shape_cast %reduce_min3A_35 : vector<64xi32> to vector<64x1xi32>
    %swap3A = arith.constant 0 : index
    %swap3A_37 = arith.constant 0 : index
    %swap3A_38 = arith.constant 0 : index
    %swap3A_39 = vector.load %arg5[%swap3A, %swap3A_37, %swap3A_38] : memref<1x64x1xi32, #tpu.memory_space<vmem>>, vector<1x64x1xi32>
    %swap3A_40 = vector.shape_cast %swap3A_39 : vector<1x64x1xi32> to vector<64x1xi32>
    %swap3A_41 = vector.shape_cast %broadcast_in_dim3A_36 : vector<64x1xi32> to vector<1x64x1xi32>
    tpu.vector_store %arg5[%swap3A, %swap3A_37, %swap3A_38], %swap3A_41 {strides = array<i32>} : memref<1x64x1xi32, #tpu.memory_space<vmem>>, vector<1x64x1xi32>,
    %eq3A_42 = arith.constant 0 : i32
    %eq3A_43 = arith.cmpi eq, %arg0, %eq3A_42 : i32
    %eq3A_44 = arith.constant 0 : i32
    %eq3A_45 = arith.cmpi eq, %arg1, %eq3A_44 : i32
    %and3A = arith.andi %eq3A_43, %eq3A_45 : i1
    %convert_element_type3A = arith.extui %and3A : i1 to i32
    %cond3A = arith.constant 0 : i32
    %cond3A_46 = arith.cmpi ne, %convert_element_type3A, %cond3A : i32
    scf.if %cond3A_46 {
      %swap3A_58 = arith.constant 0.000000e+00 : f32
      %swap3A_59 = arith.constant 0 : index
      %swap3A_60 = arith.constant 0 : index
      %swap3A_61 = memref.load %arg4[%swap3A_59, %swap3A_60] : memref<1x1xf32, #tpu.memory_space<smem>>
      memref.store %swap3A_58, %arg4[%swap3A_59, %swap3A_60] : memref<1x1xf32, #tpu.memory_space<smem>>
    } else {
    }
    %get3A_47 = arith.constant 0 : index
    %get3A_48 = arith.constant 0 : index
    %get3A_49 = memref.load %arg4[%get3A_47, %get3A_48] : memref<1x1xf32, #tpu.memory_space<smem>>
    %reduce_sum3A = vector.shape_cast %broadcast_in_dim3A_31 : vector<64x1xf32> to vector<1x64x1xf32>
    %reduce_sum3A_50 = arith.constant dense<0.000000e+00> : vector<1xf32>
    %reduce_sum3A_51 = vector.multi_reduction <add>, %reduce_sum3A, %reduce_sum3A_50 [1, 2] : vector<1x64x1xf32> to vector<1xf32>
    %reduce_sum3A_52 = vector.shape_cast %reduce_sum3A_51 : vector<1xf32> to vector<1x1x1xf32>
    %reduce_sum3A_53 = vector.extract %reduce_sum3A_52[0, 0, 0] : f32 from vector<1x1x1xf32>
    %add3A_54 = arith.addf %get3A_49, %reduce_sum3A_53 : f32
    %swap3A_55 = arith.constant 0 : index
    %swap3A_56 = arith.constant 0 : index
    %swap3A_57 = memref.load %arg4[%swap3A_55, %swap3A_56] : memref<1x1xf32, #tpu.memory_space<smem>>
    memref.store %add3A_54, %arg4[%swap3A_55, %swap3A_56] : memref<1x1xf32, #tpu.memory_space<smem>>
    return
  }
  func.func @transform_0(%arg0: i32, %arg1: i32) -> (i32, i32, i32) {
    %c0_i32 = arith.constant 0 : i32
    %c0_i32_0 = arith.constant 0 : i32
    return %arg0, %arg1, %c0_i32 : i32, i32, i32
  }
  func.func @transform_1(%arg0: i32, %arg1: i32) -> (i32, i32, i32) {
    %c0_i32 = arith.constant 0 : i32
    %c0_i32_0 = arith.constant 0 : i32
    %c0_i32_1 = arith.constant 0 : i32
    return %arg0, %c0_i32, %c0_i32_0 : i32, i32, i32
  }
  func.func @transform_2(%arg0: i32, %arg1: i32) -> (i32, i32) {
    %c0_i32 = arith.constant 0 : i32
    %c0_i32_0 = arith.constant 0 : i32
    %c0_i32_1 = arith.constant 0 : i32
    return %c0_i32, %c0_i32_0 : i32, i32
  }
  func.func @transform_3(%arg0: i32, %arg1: i32) -> (i32, i32, i32) {
    %c0_i32 = arith.constant 0 : i32
    %c0_i32_0 = arith.constant 0 : i32
    return %arg0, %arg1, %c0_i32 : i32, i32, i32
  }
}

</mosaic_0001>

<sc_bundles>
// kernel: _run.4.cloned.1.call-start
scs
__scs_entry_jumppad:
0x0: {  	(pc) =	sbr.rel $0x88, $3  }
0x1: {  	(tag) =	ssettag $0x0;
	lr =	simm.s32 $0x1  }
0x2: {  	[smem:$0x3F9D] =	sst lr;
	_ =	strace $0xD0000000  }
0x3: {  	_ = 	snop  }
0x4: {  	_ = 	snop  }
0x5: {  	_ = 	snop  }
0x6: {  	_ = 	snop  }
0x7: {  	_ = 	snop  }
__scs_overlays_trampoline_lowered:
0x8: {  	[smem:$0x3FAC] =	sst s0  }
0x9: {  	[smem:$0x3FAD] =	sst s1  }
0xa: {  	[smem:$0x3FAE] =	sst s2  }
0xb: {  	[smem:$0x3FAF] =	sst s3  }
0xc: {  	[smem:$0x3FB0] =	sst s4  }
0xd: {  	[smem:$0x3FB1] =	sst s5  }
0xe: {  	[smem:$0x3FB2] =	sst s6  }
0xf: {  	[smem:$0x3FB3] =	sst s7  }
0x10: {  	[smem:$0x3FB4] =	sst s8  }
0x11: {  	[smem:$0x3FB5] =	sst s9;
	s0 =	simm.s32 @!p0 $0x0  }
0x12: {  	s1 =	sld [smem:$0x3F9B];
	s0 =	simm.s32 @p0 $0x1  }
0x13: {  	[smem:$0x3FB6] =	sst s0;
	s0 =	simm.s32 @!p1 $0x0  }
0x14: {  	s2 =	sld [smem:$0x3F9A];
	s0 =	simm.s32 @p1 $0x1  }
0x15: {  	[smem:$0x3FB7] =	sst s0;
	s0 =	simm.s32 @!p2 $0x0  }
0x16: {  	s3 =	sld [smem:$0x3FDB];
	s0 =	simm.s32 @p2 $0x1  }
0x17: {  	s4 =	simm.s32 $0x1BF5;
	[smem:$0x3FB9] =	sst s0  }
0x18: {  	s0 =	sld [smem:$0x3F9C];
	_ =	swait.ge [sflag:s4], $0x0  }
0x19: {  	s7 =	sld [smem:$0x3F9D]  }
0x1a: {  	s8 =	sadd.s32 $0xFFFFE003, lr  }
0x1b: {  	s9 =	sadd.s32 $0xFFFFFEF7, lr;
	s5 =	simm.s32 $0xFFFFFFFF;
	p2 =	slt.u32 s8, $0xFFFFF086  }
0x1c: {  	p1 =	slt.u32 s9, $0xF7A;
	s5 =	simm.s32 @!p2 $0x0  }
0x1d: {  	s5 =	simm.s32 @p1 $0x1;
	p0 =	seq.s32 s7, s2  }
0x1e: {  	s7 =	smul.u32 @!p0 $0xF7A, s2;
	p2 =	seq.s32 @!p0 s5, $0x0  }
0x1f: {  	s9 =	smul.u32 $0xF7A, s1;
	s8 =	simm.s32 @!p0 $0x1BF5;
	p2 =	por !p2, p0  }
0x20: {  	[sflag:s8] =	ssyncset.s32 @!p0 $0xFFFFF086;
	s6 =	sadd.s32 @!p0 s3, s7;
	s7 =	simm.s32 @!p0 $0x108  }
0x21: {  	s3 =	sadd.s32 s3, s9;
	s6 =	sadd.s32 @!p0 $0x88, s6;
	s7 =	simm.s32 @p2 $0x1082  }
0x22: {  	[simem:s7], [sflag:s8] =	dma.local @!p0 [hbm:s6], $0xF7A  }
0x23: {  	s9 =	sor.u32 $0xD0000000, s2;
	s6 =	simm.s32 $0x108;
	_ =	swait.ge @!p0 [sflag:s8], $0x0  }
0x24: {  	s3 =	sadd.s32 $0x88, s3;
	s6 =	simm.s32 @!p1 $0x1082;
	[sflag:s4] =	ssyncset.s32 $0xFFFFF086  }
0x25: {  	[simem:s6], [sflag:s4] =	dma.local [hbm:s3], $0xF7A  }
0x26: {  	[smem:$0x3F9D] =	sst s1;
	(tag) =	ssettag s2;
	_ =	strace s9  }
0x27: {  	s1 =	sld [smem:$0x3FAD]  }
0x28: {  	s2 =	sld [smem:$0x3FAE]  }
0x29: {  	s4 =	sld [smem:$0x3FB0]  }
0x2a: {  	p0 =	seq.s32 s5, $0x0;
	s5 =	sld [smem:$0x3FB1]  }
0x2b: {  	s6 =	sld [smem:$0x3FB2]  }
0x2c: {  	s7 =	sld [smem:$0x3FB3]  }
0x2d: {  	s3 =	simm.s32 $0x108;
	s8 =	sld [smem:$0x3FB4]  }
0x2e: {  	s3 =	simm.s32 @!p0 $0x1082;
	s9 =	sld [smem:$0x3FB5]  }
0x2f: {  	lr =	sadd.s32 s0, s3;
	s0 =	sld [smem:$0x3FAC]  }
0x30: {  	s3 =	sld [smem:$0x3FAF]  }
0x31: {  	[smem:$0x3FB8] =	sst s10  }
0x32: {  	s10 =	sld [smem:$0x3FB6];
	_ =	sdelay $0x3  }
0x33: {  	p0 =	seq.s32 s10, $0x1;
	s10 =	sld [smem:$0x3FB8];
	_ =	sdelay $0x3  }
0x34: {  	[smem:$0x3FB8] =	sst s10  }
0x35: {  	s10 =	sld [smem:$0x3FB7];
	_ =	sdelay $0x3  }
0x36: {  	p1 =	seq.s32 s10, $0x1;
	s10 =	sld [smem:$0x3FB8];
	_ =	sdelay $0x3  }
0x37: {  	[smem:$0x3FB8] =	sst s10  }
0x38: {  	s10 =	sld [smem:$0x3FB9]  }
0x39: {  	_ = 	snop;
	(pc) =	sbr.ind lr, $3  }
0x3a: {  	_ = 	snop  }
0x3b: {  	_ = 	snop  }
0x3c: {  	p2 =	seq.s32 s10, $0x1;
	s10 =	sld [smem:$0x3FB8]  }
0x3d: {  	_ =	shalt  }
0x3e: {  	_ =	shalt  }
0x3f: {  	_ =	shalt  }
0x40: {  	_ =	shalt  }
0x41: {  	_ =	shalt  }
0x42: {  	_ =	shalt  }
0x43: {  	_ =	shalt  }
0x44: {  	_ =	shalt  }
0x45: {  	_ =	shalt  }
0x46: {  	_ =	shalt  }
0x47: {  	_ =	shalt  }
0x48: {  	_ =	shalt  }
0x49: {  	_ =	shalt  }
0x4a: {  	_ =	shalt  }
0x4b: {  	_ =	shalt  }
0x4c: {  	_ =	shalt  }
0x4d: {  	_ =	shalt  }
0x4e: {  	_ =	shalt  }
0x4f: {  	_ =	shalt  }
0x50: {  	_ =	shalt  }
0x51: {  	_ =	shalt  }
0x52: {  	_ =	shalt  }
0x53: {  	_ =	shalt  }
0x54: {  	_ =	shalt  }
0x55: {  	_ =	shalt  }
0x56: {  	_ =	shalt  }
0x57: {  	_ =	shalt  }
0x58: {  	_ =	shalt  }
0x59: {  	_ =	shalt  }
0x5a: {  	_ =	shalt  }
0x5b: {  	_ =	shalt  }
0x5c: {  	_ =	shalt  }
0x5d: {  	_ =	shalt  }
0x5e: {  	_ =	shalt  }
0x5f: {  	_ =	shalt  }
0x60: {  	_ =	shalt  }
0x61: {  	_ =	shalt  }
0x62: {  	_ =	shalt  }
0x63: {  	_ =	shalt  }
0x64: {  	_ =	shalt  }
0x65: {  	_ =	shalt  }
0x66: {  	_ =	shalt  }
0x67: {  	_ =	shalt  }
0x68: {  	_ =	shalt  }
0x69: {  	_ =	shalt  }
0x6a: {  	_ =	shalt  }
0x6b: {  	_ =	shalt  }
0x6c: {  	_ =	shalt  }
0x6d: {  	_ =	shalt  }
0x6e: {  	_ =	shalt  }
0x6f: {  	_ =	shalt  }
0x70: {  	_ =	shalt  }
0x71: {  	_ =	shalt  }
0x72: {  	_ =	shalt  }
0x73: {  	_ =	shalt  }
0x74: {  	_ =	shalt  }
0x75: {  	_ =	shalt  }
0x76: {  	_ =	shalt  }
0x77: {  	_ =	shalt  }
0x78: {  	_ =	shalt  }
0x79: {  	_ =	shalt  }
0x7a: {  	_ =	shalt  }
0x7b: {  	_ =	shalt  }
0x7c: {  	_ =	shalt  }
0x7d: {  	_ =	shalt  }
0x7e: {  	_ =	shalt  }
0x7f: {  	_ =	shalt  }
0x80: {  	_ =	shalt  }
0x81: {  	_ =	shalt  }
0x82: {  	_ =	shalt  }
0x83: {  	_ =	shalt  }
0x84: {  	_ =	shalt  }
0x85: {  	_ =	shalt  }
0x86: {  	_ =	shalt  }
0x87: {  	_ =	shalt  }
.Lfunc_end0:
.L_simem_size_0:
called_computation_lowered:
.L_overlay_start_0:
0x88: {  	s2 =	sld [smem:$0x3FD9]  }
0x89: {  	s3 =	sld [smem:$0x3FFE];
	_ =	sdelay $0x1  }
0x8a: {  	s1 =	srdreg.scid  }
0x8b: {  	s0 =	sand.u32 $0x1, s1  }
0x8c: {  	s14 =	sshll.u32 s0, $0xA;
	s2 =	sadd.s32 s3, s2  }
0x8d: {  	s2 =	sadd.s32 s2, s14  }
0x8e: {  	[smem:$0x3FC4] =	sst s2  }
0x8f: {  	_ = 	snop  }
0x90: {  	s2 =	sld [smem:$0x3FD0];
	_ =	sdelay $0x2  }
0x91: {  	s15 =	simm.s32 $0xA;
	s4 =	simm.s32 $0x10  }
0x92: {  	[smem:s4], [sflag:s15] =	dma.local [hbm:s2], $0x1  }
0x93: {  	_ =	swait.eq [sflag:s15], $0x1  }
0x94: {  	[sflag:s15] =	ssyncset.done $0x0  }
0x95: {  	[sflag:s15] =	ssyncadd.s32 $0xFFFFFFFF  }
0x96: {  	s16 =	sld [smem:$0x11];
	(tm) =	ssettm $0x1  }
0x97: {  	s17 =	sld [smem:$0x3FFB];
	_ =	sdelay $0x3  }
0x98: {  	_ =	strace s17  }
0x99: {  	s3 =	sld [smem:$0x3FFC];
	_ =	sdelay $0x3  }
0x9a: {  	_ =	strace s3  }
0x9b: {  	s3 =	sld [smem:$0x3FFD];
	_ =	sdelay $0x3  }
0x9c: {  	_ =	strace s3  }
0x9d: {  	_ =	strace $0x8FFFFFFF  }
0x9e: {  	s18 =	sld [smem:$0x3FDB];
	_ =	sdelay $0x1  }
0x9f: {  	s19 =	simm.s32 $_scs_section_size  }
0xa0: {  	s5 =	simm.s32 $_size__tile_overlayer_lowered;
	s6 =	simm.s32 $_tile_overlayer_lowered  }
0xa1: {  	s22 =	simm.s32 $0x1BFF;
	s21 =	sshll.u32 s6, $0x1;
	s3 =	sadd.s32 s19, s18  }
0xa2: {  	s7 =	simm.s32 $0x0;
	s20 =	sshll.u32 s5, $0x1;
	s5 =	sadd.s32 s21, s3  }
0xa3: {  	[timem:s7], [sflag:s22] =	dma.local [hbm:s5], s20  }
0xa4: {  	_ =	swait.ge [sflag:s22], s20  }
0xa5: {  	s4 =	ssub.s32 $0x0, s20;
	[sflag:s22] =	ssyncset.done $0x0  }
0xa6: {  	[sflag:s22] =	ssyncadd.s32 s4;
	_ =	sdelay $0x1  }
0xa7: {  	s23 =	simm.s32 $0x1B8B  }
0xa8: {  	_ =	swait.ge [sflag:s23], $0x1  }
0xa9: {  	[sflag:s23] =	ssyncset.done $0x0  }
0xaa: {  	s25 =	simm.s32 $0x1B8E;
	s24 =	sld [smem:$0x3FFE];
	[sflag:s23] =	ssyncadd.s32 $0xFFFFFFFF  }
0xab: {  	s26 =	simm.s32 $execute0_lowered;
	[smem:$0x3FD2] =	sst s25  }
0xac: {  	s5 =	sshll.u32 s26, $0x1;
	_ =	strace $0x80000046;
	[dreg:$0x1] =	wrdreg $0xFFFFFFFF  }
0xad: {  	s28 =	simm.s32 $_size_execute0_lowered;
	s3 =	sadd.s32 s3, s5;
	[dreg:$0x0] =	wrdreg $0x0  }
0xae: {  	s5 =	sshll.u32 s28, $0x1;
	[dreg:$0x2] =	wrdreg s3  }
0xaf: {  	[dreg:$0x3] =	wrdreg s5  }
0xb0: {  	[dreg:$0x4] =	wrdreg $0xC0  }
0xb1: {  	_ =	task [dreg:s7], $0x5FFFF  }
0xb2: {  	[dreg:$0x1] =	wrdreg $0xFFFFFFFF  }
0xb3: {  	[dreg:$0x0] =	wrdreg $0x60  }
0xb4: {  	[dreg:$0x2] =	wrdreg s24  }
0xb5: {  	[dreg:$0x3] =	wrdreg s16  }
0xb6: {  	[dreg:$0x4] =	wrdreg $0x9  }
0xb7: {  	_ =	task.clear_ibuf [dreg:s7], $0x5FFFF;
	_ =	strace $0x90000046  }
0xb8: {  	s29 =	simm.s32 $0x9;
	_ =	strace $0x80000048  }
0xb9: {  	_ =	swait.ge [sflag:s29], $0x1  }
0xba: {  	[sflag:s29] =	ssyncadd.s32 $0xFFFFFFFF  }
0xbb: {  	_ =	strace $0x90000048  }
0xbc: {  	_ =	sfence  }
0xbd: {  	s30 =	sld [smem:$0x0];
	_ =	sdelay $0x2  }
0xbe: {  	s31 =	sshll.u32 s1, $0xD;
	s1 =	sshrl.u32 s1, $0x2  }
0xbf: {  	s3 =	sand.u32 $0x4000, s31;
	s1 =	sadd.s32 s1, s30  }
0xc0: {  	s0 =	sor.u32 s3, s0;
	s1 =	sshll.u32 s1, $0x11  }
0xc1: {  	s0 =	sor.u32 s1, s0  }
0xc2: {  	s0 =	sadd.s32 $0x8F2B, s0  }
0xc3: {  	[sflag:s0] =	ssyncadd.remote.s32 $0x1  }
0xc4: {  	_ =	sfence.sel $0xFFFF  }
0xc5: {  	[dreg:$0x0] =	wrdreg $0xFFFFFFFF;
	(pc) =	sbr.abs _section_cstart, $3  }
0xc6: {  	[dreg:$0x1] =	wrdreg $0xFFFFFFFF  }
0xc7: {  	_ =	task.clear_ibuf [dreg:s7], $0x2FFFF;
	_ =	strace $0x9FFFFFFF  }
0xc8: {  	(tm) =	ssettm $0x7FFFFFFF  }
0xc9: {  	_ =	shalt  }
tec
execute0_lowered:
.L_overlay_start_1:
0x0: {  	(tag) =	ssettag $0x1  }
0x1: {  	s1 =	srdreg.scid;
	s5 =	rddreg [dreg:$0x0]  }
0x2: {  	s0 =	stileid.u32;
	s8 =	rddreg [dreg:$0x1]  }
0x3: {  	s13 =	simm.s32 $0x2000;
	s14 =	simm.s32 $0x4000;
	s15 =	simm.s32 $0x6000  }
0x4: {  	s16 =	simm.s32 $0x6280;
	s17 =	simm.s32 $0x6500;
	s18 =	simm.s32 $0x6780  }
0x5: {  	s19 =	simm.s32 $0x6A00;
	s20 =	simm.s32 $0x0;
	s3 =	sand.u32 $0x1, s1  }
0x6: {  	s29 =	sshll.u32 s0, $0x1;
	s2 =	sshll.u32 s0, $0xC;
	s31 =	sshll.u32 s0, $0x9  }
0x7: {  	s4 =	sor.u32 s3, s29;
	s7 =	sor.u32 $0x1680, s2;
	s2 =	simm.s32 $0x0  }
0x8: {  	s3 =	ssub.s32 $0x2, s3;
	s1 =	sand.u32 $0x3, s4;
	s10 =	smul.u32 $0x4C, s4  }
0x9: {  	[smem:$0x7FF] =	sst s2;
	s4 =	sshll.u32 s4, $0x1;
	s6 =	smul.u32 $0x260, s1  }
0xa: {  	s11 =	sshrl.u32 s3, $0x1;
	s1 =	rddreg [dreg:$0x2];
	_ =	strace $0x80000047  }
0xb: {  	s12 =	sadd.s32 s4, s5;
	s11 =	ssub.s32 s3, s11;
	s6 =	sadd.s32 s7, s6  }
0xc: {  	s10 =	sadd.s32 s10, s5;
	s9 =	sshrl.u32 s6, $0x3;
	s6 =	sand.u32 $0x1C00, s31  }
0xd: {  	s11 =	smax.u32 s11, $0x1;
	s30 =	sadd.s32 s9, s5;
	s6 =	sadd.s32 s6, s5  }
0xe: {  	s8 =	sadd.s32 s8, s9;
	s9 =	sadd.s32 $0xA600, s10;
	s10 =	sadd.s32 $0xB000, s12  }
0xf: {  	s12 =	simm.s32 $0x1;
	s3 =	sadd.s32 $0x8600, s6;
	s4 =	sadd.s32 $0x6600, s6  }
0x10: {  	s5 =	sadd.s32 $0x4600, s6;
	s6 =	sadd.s32 $0x2600, s30;
	s7 =	sadd.s32 $0x600, s30  }
.LBB2_1:
0x11: {  	[tilespmem:s2], [sflag:$0x1] =	stream.linear.gather [hbm4b:s3+s2], $0x2000, $0x38;
	[tilespmem:$0x6A80] =	vst v63  }
0x12: {  	_ =	swait.ge [sflag:s12], $0x2000  }
0x13: {  	[sflag:s12] =	ssyncset.done $0x0  }
0x14: {  	[sflag:s12] =	ssyncadd.s32 $0xFFFFE000  }
0x15: {  	[tilespmem:s13], [sflag:$0x1] =	stream.linear.gather [hbm4b:s4+s2], $0x2000, $0x38;
	[tilespmem:$0x6A80] =	vst v63  }
0x16: {  	_ =	swait.ge [sflag:s12], $0x2000  }
0x17: {  	[sflag:s12] =	ssyncset.done $0x0  }
0x18: {  	[sflag:s12] =	ssyncadd.s32 $0xFFFFE000  }
0x19: {  	[tilespmem:s14], [sflag:$0x1] =	stream.linear.gather [hbm4b:s5+s2], $0x2000, $0x38;
	[tilespmem:$0x6A80] =	vst v63  }
0x1a: {  	_ =	swait.ge [sflag:s12], $0x2000  }
0x1b: {  	[sflag:s12] =	ssyncset.done $0x0  }
0x1c: {  	[sflag:s12] =	ssyncadd.s32 $0xFFFFE000  }
0x1d: {  	[tilespmem:s15], [sflag:$0x1] =	stream.linear.gather [hbm4b:s6+s2], $0x260, $0x38;
	[tilespmem:$0x6A80] =	vst v63  }
0x1e: {  	_ =	swait.ge [sflag:s12], $0x260  }
0x1f: {  	[sflag:s12] =	ssyncset.done $0x0  }
0x20: {  	[sflag:s12] =	ssyncadd.s32 $0xFFFFFDA0  }
0x21: {  	[tilespmem:s16], [sflag:$0x1] =	stream.linear.gather [hbm4b:s7+s2], $0x260, $0x38;
	[tilespmem:$0x6A80] =	vst v63  }
0x22: {  	_ =	swait.ge [sflag:s12], $0x260  }
0x23: {  	[sflag:s12] =	ssyncset.done $0x0  }
0x24: {  	[sflag:s12] =	ssyncadd.s32 $0xFFFFFDA0  }
0x25: {  	[tilespmem:s17], [sflag:$0x1] =	stream.linear.gather [hbm4b:s8+s2], $0x260, $0x38;
	[tilespmem:$0x6A80] =	vst v63  }
0x26: {  	_ =	swait.ge [sflag:s12], $0x260  }
0x27: {  	[sflag:s12] =	ssyncset.done $0x0  }
0x28: {  	v0 =	vimm.f32 $0.0e+00;
	s21 =	simm.s32 $0x0;
	[sflag:s12] =	ssyncadd.s32 $0xFFFFFDA0  }
.LBB2_2:
0x29: {  	s22 =	simm.s32 $0x0  }
0x2a: {  	s23 =	simm.s32 $0x4000;
	v10 =	vld [tilespmem:s22+$0x0]  }
0x2b: {  	v7 =	vld [tilespmem:s23+$0x0]  }
0x2c: {  	s30 =	simm.s32 $0x2000  }
0x2d: {  	v5 =	vld [tilespmem:s30+$0x0];
	_ =	sdelay $0x1  }
0x2e: {  	v3 =	vbroadcast v10, $0x0  }
0x2f: {  	v8 =	vbroadcast v10, $0xF;
	v9 =	vbroadcast v7, $0x3  }
0x30: {  	v11 =	vbroadcast v7, $0xF;
	v12 =	vbroadcast v10, $0x4  }
0x31: {  	v13 =	vbroadcast v10, $0xE;
	v15 =	vbroadcast v5, $0x0  }
0x32: {  	v16 =	vbroadcast v7, $0xE;
	v6 =	vbroadcast v10, $0xD  }
0x33: {  	v19 =	vbroadcast v10, $0xC;
	v20 =	vbroadcast v7, $0x1  }
0x34: {  	v21 =	vbroadcast v5, $0xF;
	v22 =	vbroadcast v10, $0xB  }
0x35: {  	v24 =	vbroadcast v7, $0x2;
	v25 =	vbroadcast v5, $0xD  }
0x36: {  	v26 =	vbroadcast v10, $0x5;
	v27 =	vbroadcast v10, $0xA  }
0x37: {  	v61 =	vbroadcast v7, $0x4;
	v28 =	vbroadcast v7, $0xA  }
0x38: {  	v29 =	vbroadcast v5, $0x3;
	v30 =	vbroadcast v10, $0x9  }
0x39: {  	v31 =	vbroadcast v7, $0x8;
	v33 =	vbroadcast v10, $0x8  }
0x3a: {  	s22 =	sshll.u32 s21, $0x4;
	v34 =	vbroadcast v5, $0x4;
	v35 =	vbroadcast v10, $0x6  }
0x3b: {  	v1 =	vld [tilespmem:s22+$0x6000];
	v36 =	vbroadcast v5, $0x9;
	v62 =	vbroadcast v5, $0x6  }
0x3c: {  	v37 =	vbroadcast v5, $0x7;
	v38 =	vbroadcast v10, $0x1  }
0x3d: {  	v2 =	vld [tilespmem:s22+$0x6280];
	v48 =	vbroadcast v10, $0x7;
	v49 =	vbroadcast v5, $0x1  }
0x3e: {  	v14 =	vimm.f32 $+Inf;
	v40 =	vbroadcast v7, $0x5;
	v50 =	vbroadcast v10, $0x3  }
0x3f: {  	v17 =	vimm.s32 $0x0;
	v41 =	vbroadcast v5, $0x5;
	v10 =	vbroadcast v10, $0x2  }
0x40: {  	v51 =	vbroadcast v7, $0x6;
	v42 =	vbroadcast v5, $0x2;
	v4 =	vsub.f32 v1, v3  }
0x41: {  	v43 =	vbroadcast v5, $0x8;
	v12 =	vsub.f32 v1, v12;
	v13 =	vsub.f32 v1, v13  }
0x42: {  	v44 =	vbroadcast v7, $0x9;
	v15 =	vsub.f32 v2, v15;
	v27 =	vsub.f32 v1, v27  }
0x43: {  	v56 =	vbroadcast v7, $0x7;
	v26 =	vsub.f32 v1, v26;
	v29 =	vsub.f32 v2, v29  }
0x44: {  	v57 =	vbroadcast v5, $0xA;
	v33 =	vsub.f32 v1, v33;
	v30 =	vsub.f32 v1, v30  }
0x45: {  	v45 =	vbroadcast v5, $0xC;
	v25 =	vsub.f32 v2, v25;
	v37 =	vsub.f32 v2, v37  }
0x46: {  	v46 =	vbroadcast v5, $0xB;
	v38 =	vsub.f32 v1, v38;
	v35 =	vsub.f32 v1, v35  }
0x47: {  	v5 =	vbroadcast v5, $0xE;
	v41 =	vsub.f32 v2, v41;
	v10 =	vsub.f32 v1, v10  }
0x48: {  	v53 =	vsub.f32 v1, v48;
	v42 =	vsub.f32 v2, v42;
	v18 =	vmul.f32 v4, v4  }
0x49: {  	v43 =	vsub.f32 v2, v43;
	v4 =	vbroadcast v7, $0x0;
	v12 =	vmul.f32 v12, v12  }
0x4a: {  	v36 =	vsub.f32 v2, v36;
	v27 =	vmul.f32 v27, v27;
	v33 =	vmul.f32 v33, v33  }
0x4b: {  	v58 =	vsub.f32 v2, v49;
	v63 =	vmul.f32 v29, v29;
	v15 =	vmul.f32 v15, v15  }
0x4c: {  	v22 =	vsub.f32 v1, v22;
	v37 =	vmul.f32 v37, v37;
	v38 =	vmul.f32 v38, v38  }
0x4d: {  	v3 =	vld [tilespmem:s22+$0x6500];
	v49 =	vsub.f32 v2, v46;
	v52 =	vmul.f32 v26, v26;
	v41 =	vmul.f32 v41, v41  }
0x4e: {  	v19 =	vsub.f32 v1, v19;
	v55 =	vmul.f32 v42, v42;
	v30 =	vmul.f32 v30, v30  }
0x4f: {  	v5 =	vsub.f32 v2, v5;
	v26 =	vmul.f32 v53, v53;
	v10 =	vmul.f32 v10, v10  }
0x50: {  	v6 =	vsub.f32 v1, v6;
	v36 =	vmul.f32 v36, v36;
	v13 =	vmul.f32 v13, v13  }
0x51: {  	v53 =	vsub.f32 v2, v45;
	v5 =	vmul.f32 v5, v5;
	v15 =	vadd.f32 v15, v18  }
0x52: {  	v35 =	vmul.f32 v35, v35;
	v26 =	vadd.f32 v37, v26;
	v9 =	vsub.f32 v3, v9  }
0x53: {  	v48 =	vmul.f32 v43, v43;
	v10 =	vadd.f32 v55, v10;
	v5 =	vadd.f32 v5, v13  }
0x54: {  	v32 =	vmul.f32 v9, v9;
	v9 =	vsub.f32 v1, v8;
	v8 =	vsub.f32 v2, v34  }
0x55: {  	v22 =	vmul.f32 v22, v22;
	v23 =	vsub.f32 v3, v4;
	v20 =	vsub.f32 v3, v20  }
0x56: {  	v60 =	vsub.f32 v3, v24;
	v24 =	vsub.f32 v3, v61;
	v39 =	vmul.f32 v8, v8  }
0x57: {  	v19 =	vmul.f32 v19, v19;
	v4 =	vsub.f32 v2, v21;
	v31 =	vsub.f32 v3, v31  }
0x58: {  	v40 =	vsub.f32 v3, v40;
	v24 =	vmul.f32 v24, v24;
	v12 =	vadd.f32 v39, v12  }
0x59: {  	v6 =	vmul.f32 v6, v6;
	v54 =	vsub.f32 v3, v44;
	v44 =	vsub.f32 v2, v57  }
0x5a: {  	v57 =	vmul.f32 v25, v25;
	v12 =	vadd.f32 v24, v12;
	v24 =	vsub.f32 v1, v50  }
0x5b: {  	v18 =	vsub.f32 v3, v51;
	v23 =	vmul.f32 v23, v23;
	v20 =	vmul.f32 v20, v20  }
0x5c: {  	v61 =	vadd.f32 v36, v30;
	v31 =	vmul.f32 v31, v31;
	v24 =	vmul.f32 v24, v24  }
0x5d: {  	v11 =	vsub.f32 v3, v11;
	v21 =	vmul.f32 v60, v60;
	v18 =	vmul.f32 v18, v18  }
0x5e: {  	v8 =	vsub.f32 v3, v16;
	v16 =	vadd.f32 v63, v24;
	v63 =	vmul.f32 v58, v58  }
0x5f: {  	v34 =	vsub.f32 v2, v62;
	v40 =	vmul.f32 v40, v40;
	v62 =	vbroadcast v7, $0xD  }
0x60: {  	v29 =	vmul.f32 v54, v54;
	v15 =	vadd.f32 v23, v15;
	v36 =	vadd.f32 v63, v38  }
0x61: {  	v28 =	vsub.f32 v3, v28;
	v47 =	vmul.f32 v44, v44;
	v54 =	vmul.f32 v53, v53  }
0x62: {  	v6 =	vadd.f32 v57, v6;
	vm0 =	vlt.f32 v15, v14;
	v20 =	vadd.f32 v20, v36  }
0x63: {  	v4 =	vmul.f32 v4, v4;
	v11 =	vmul.f32 v11, v11;
	v14 =	vsel vm0, v15, v14  }
0x64: {  	v34 =	vmul.f32 v34, v34;
	v10 =	vadd.f32 v21, v10;
	vm8 =	vlt.f32 v20, v14  }
0x65: {  	v23 =	vadd.f32 v41, v52;
	v41 =	vsub.f32 v3, v56;
	v14 =	vsel vm8, v20, v14  }
0x66: {  	v52 =	vmul.f32 v28, v28;
	v16 =	vadd.f32 v32, v16;
	vm2 =	vlt.f32 v10, v14  }
0x67: {  	v21 =	vadd.f32 v47, v27;
	v9 =	vmul.f32 v9, v9;
	v10 =	vsel vm2, v10, v14  }
0x68: {  	v59 =	vadd.f32 v40, v23;
	v34 =	vadd.f32 v34, v35;
	vm3 =	vlt.f32 v16, v10  }
0x69: {  	s31 =	simm.s32 $0x0;
	v60 =	vmul.f32 v41, v41;
	v8 =	vmul.f32 v8, v8;
	v10 =	vsel vm3, v16, v10  }
0x6a: {  	v17 =	vsel vm0, s31, v17;
	v18 =	vadd.f32 v18, v34;
	vm1 =	vlt.f32 v12, v10  }
0x6b: {  	v50 =	vbroadcast v7, $0xB;
	v7 =	vbroadcast v7, $0xC;
	v10 =	vsel vm1, v12, v10  }
0x6c: {  	v34 =	vmul.f32 v49, v49;
	v55 =	vadd.f32 v60, v26;
	vm9 =	vlt.f32 v59, v10  }
0x6d: {  	v51 =	vsub.f32 v3, v50;
	v7 =	vsub.f32 v3, v7;
	v10 =	vsel vm9, v59, v10  }
0x6e: {  	v56 =	vadd.f32 v34, v22;
	v32 =	vadd.f32 v48, v33;
	vm4 =	vlt.f32 v18, v10  }
0x6f: {  	s24 =	simm.s32 $0x1;
	v24 =	vadd.f32 v29, v61;
	v7 =	vmul.f32 v7, v7;
	v10 =	vsel vm4, v18, v10  }
0x70: {  	s25 =	simm.s32 $0x2;
	v58 =	vadd.f32 v31, v32;
	v17 =	vsel vm8, s24, v17;
	vm10 =	vlt.f32 v55, v10  }
0x71: {  	s26 =	simm.s32 $0x3;
	v20 =	vadd.f32 v52, v21;
	v17 =	vsel vm2, s25, v17;
	v10 =	vsel vm10, v55, v10  }
0x72: {  	s30 =	simm.s32 $0x4;
	v14 =	vmul.f32 v51, v51;
	v17 =	vsel vm3, s26, v17;
	vm11 =	vlt.f32 v58, v10  }
0x73: {  	s31 =	simm.s32 $0x5;
	v12 =	vadd.f32 v54, v19;
	v61 =	vsel vm1, s30, v17;
	v10 =	vsel vm11, v58, v10  }
0x74: {  	s24 =	simm.s32 $0x6;
	v59 =	vsub.f32 v3, v62;
	v62 =	vsel vm9, s31, v61;
	vm12 =	vlt.f32 v24, v10  }
0x75: {  	s25 =	simm.s32 $0x7;
	v7 =	vadd.f32 v7, v12;
	v12 =	vsel vm4, s24, v62;
	v10 =	vsel vm12, v24, v10  }
0x76: {  	v14 =	vadd.f32 v14, v56;
	s26 =	simm.s32 $0x8;
	v12 =	vsel vm10, s25, v12;
	vm13 =	vlt.f32 v20, v10  }
0x77: {  	v8 =	vadd.f32 v8, v5;
	s30 =	simm.s32 $0x9;
	v12 =	vsel vm11, s26, v12;
	v10 =	vsel vm13, v20, v10  }
0x78: {  	v63 =	vadd.f32 v4, v9;
	s24 =	simm.s32 $0xA;
	v12 =	vsel vm12, s30, v12;
	vm14 =	vlt.f32 v14, v10  }
0x79: {  	s28 =	simm.s32 $0x2010;
	v60 =	vmul.f32 v59, v59;
	s26 =	simm.s32 $0xB;
	v12 =	vsel vm13, s24, v12;
	v10 =	vsel vm14, v14, v10  }
0x7a: {  	s29 =	simm.s32 $0x4010;
	s23 =	simm.s32 $0xF;
	v5 =	vadd.f32 v11, v63;
	s31 =	simm.s32 $0xC;
	v4 =	vsel vm14, s26, v12;
	vm15 =	vlt.f32 v7, v10  }
0x7b: {  	v6 =	vadd.f32 v60, v6;
	s25 =	simm.s32 $0x1F;
	s24 =	simm.s32 $0xD;
	s26 =	simm.s32 $0x10;
	v9 =	vsel vm15, v7, v10;
	v4 =	vsel vm15, s31, v4  }
.LBB2_3:
0x7c: {  	s30 =	sadd.s32 $0xFFFFFFFE, s25  }
0x7d: {  	v21 =	vld [tilespmem:s26+$0x0];
	p0 =	sne.s32 s25, $0x1FFF;
	vm0 =	vlt.f32 v6, v9;
	s31 =	smov.u32 s25;
	s25 =	sadd.s32 $0x10, s25  }
0x7e: {  	v7 =	vld [tilespmem:s29+$0x0];
	v6 =	vsel vm0, v6, v9;
	v9 =	vsel vm0, s24, v4;
	s24 =	smov.u32 s30  }
0x7f: {  	s30 =	sadd.s32 $0xFFFFFFFF, s23;
	v4 =	vld [tilespmem:s28+$0x0];
	vm0 =	vlt.f32 v8, v6  }
0x80: {  	v6 =	vsel vm0, v8, v6;
	v8 =	vsel vm0, s30, v9  }
0x81: {  	vm0 =	vlt.f32 v5, v6  }
0x82: {  	v9 =	vbroadcast v21, $0x0;
	v16 =	vbroadcast v21, $0xF;
	v18 =	vsel vm0, v5, v6  }
0x83: {  	v17 =	vsel vm0, s23, v8;
	s23 =	smov.u32 s31;
	v13 =	vbroadcast v7, $0x3;
	v11 =	vbroadcast v7, $0xF  }
0x84: {  	v8 =	vbroadcast v21, $0x4;
	v5 =	vsub.f32 v1, v9;
	v9 =	vbroadcast v21, $0xE  }
0x85: {  	v19 =	vbroadcast v7, $0xE;
	v14 =	vbroadcast v4, $0x0  }
0x86: {  	v6 =	vbroadcast v21, $0xD;
	v22 =	vmul.f32 v5, v5;
	v10 =	vsub.f32 v1, v9  }
0x87: {  	v12 =	vbroadcast v21, $0xC;
	v8 =	vsub.f32 v1, v8;
	v5 =	vbroadcast v7, $0x0  }
0x88: {  	v15 =	vbroadcast v4, $0xF;
	v20 =	vsub.f32 v2, v14;
	v9 =	vbroadcast v7, $0x1  }
0x89: {  	v24 =	vmul.f32 v8, v8;
	v14 =	vbroadcast v21, $0xB;
	v23 =	vsub.f32 v3, v5  }
0x8a: {  	v26 =	vbroadcast v4, $0xD;
	v8 =	vbroadcast v7, $0x2;
	v25 =	vsub.f32 v3, v9  }
0x8b: {  	v27 =	vbroadcast v21, $0xA;
	v9 =	vbroadcast v21, $0x5;
	v5 =	vsub.f32 v2, v15  }
0x8c: {  	v28 =	vsub.f32 v3, v8;
	v8 =	vbroadcast v7, $0x4;
	v15 =	vbroadcast v7, $0xA  }
0x8d: {  	v30 =	vbroadcast v21, $0x9;
	v29 =	vbroadcast v4, $0x3;
	v13 =	vsub.f32 v3, v13  }
0x8e: {  	v31 =	vbroadcast v7, $0x8;
	v27 =	vsub.f32 v1, v27;
	v8 =	vsub.f32 v3, v8  }
0x8f: {  	v34 =	vbroadcast v21, $0x8;
	v32 =	vmul.f32 v13, v13;
	v33 =	vsub.f32 v1, v9  }
0x90: {  	v35 =	vbroadcast v4, $0x4;
	v13 =	vmul.f32 v27, v27;
	v9 =	vsub.f32 v1, v16  }
0x91: {  	v27 =	vbroadcast v21, $0x6;
	v16 =	vsub.f32 v2, v29;
	v29 =	vbroadcast v4, $0x9  }
0x92: {  	v36 =	vbroadcast v4, $0x6;
	v37 =	vbroadcast v4, $0x7;
	v35 =	vsub.f32 v2, v35  }
0x93: {  	v30 =	vsub.f32 v1, v30;
	v38 =	vmul.f32 v8, v8;
	v8 =	vsub.f32 v1, v34  }
0x94: {  	v36 =	vsub.f32 v2, v36;
	v35 =	vmul.f32 v35, v35;
	v34 =	vbroadcast v21, $0x1  }
0x95: {  	v23 =	vmul.f32 v23, v23;
	v39 =	vmul.f32 v8, v8;
	v8 =	vsub.f32 v3, v19  }
0x96: {  	v40 =	vmul.f32 v16, v16;
	v19 =	vadd.f32 v35, v24;
	v24 =	vbroadcast v21, $0x7  }
0x97: {  	v25 =	vmul.f32 v25, v25;
	v16 =	vsub.f32 v2, v26;
	v35 =	vbroadcast v4, $0x1  }
0x98: {  	v26 =	vmul.f32 v20, v20;
	v20 =	vadd.f32 v38, v19;
	v19 =	vbroadcast v7, $0x5  }
0x99: {  	v41 =	vbroadcast v4, $0x5;
	v31 =	vsub.f32 v3, v31;
	v38 =	vbroadcast v21, $0x3  }
0x9a: {  	v37 =	vsub.f32 v2, v37;
	v36 =	vmul.f32 v36, v36;
	v42 =	vsub.f32 v3, v19  }
0x9b: {  	v27 =	vsub.f32 v1, v27;
	v34 =	vsub.f32 v1, v34;
	v19 =	vmul.f32 v31, v31  }
0x9c: {  	v37 =	vmul.f32 v37, v37;
	v21 =	vbroadcast v21, $0x2;
	v31 =	vsub.f32 v2, v41  }
0x9d: {  	v22 =	vadd.f32 v26, v22;
	v26 =	vmul.f32 v34, v34;
	v34 =	vbroadcast v7, $0x6  }
0x9e: {  	v43 =	vbroadcast v4, $0x8;
	v41 =	vbroadcast v4, $0x2;
	v38 =	vsub.f32 v1, v38  }
0x9f: {  	v44 =	vbroadcast v7, $0x9;
	v28 =	vmul.f32 v28, v28;
	v34 =	vsub.f32 v3, v34  }
0xa0: {  	v22 =	vadd.f32 v23, v22;
	v23 =	vmul.f32 v33, v33;
	v21 =	vsub.f32 v1, v21  }
0xa1: {  	v24 =	vsub.f32 v1, v24;
	v33 =	vmul.f32 v34, v34;
	v34 =	vsub.f32 v3, v44  }
0xa2: {  	vm0 =	vlt.f32 v22, v18;
	v41 =	vsub.f32 v2, v41;
	v42 =	vmul.f32 v42, v42  }
0xa3: {  	v43 =	vsub.f32 v2, v43;
	v38 =	vmul.f32 v38, v38;
	v31 =	vmul.f32 v31, v31  }
0xa4: {  	v30 =	vmul.f32 v30, v30;
	v18 =	vsel vm0, v22, v18;
	v22 =	vmul.f32 v41, v41  }
0xa5: {  	v24 =	vmul.f32 v24, v24;
	v23 =	vadd.f32 v31, v23;
	v31 =	vbroadcast v7, $0x7  }
0xa6: {  	s30 =	sadd.s32 $0xFFFFFFF1, s23;
	v29 =	vsub.f32 v2, v29;
	v21 =	vmul.f32 v21, v21;
	v41 =	vbroadcast v4, $0xA  }
0xa7: {  	v17 =	vsel vm0, s30, v17;
	v24 =	vadd.f32 v37, v24;
	v31 =	vsub.f32 v3, v31  }
0xa8: {  	v27 =	vmul.f32 v27, v27;
	v29 =	vmul.f32 v29, v29;
	v35 =	vsub.f32 v2, v35  }
0xa9: {  	v21 =	vadd.f32 v22, v21;
	v22 =	vadd.f32 v42, v23;
	v23 =	vmul.f32 v31, v31  }
0xaa: {  	v29 =	vadd.f32 v29, v30;
	v30 =	vbroadcast v7, $0xD;
	v31 =	vadd.f32 v40, v38  }
0xab: {  	v35 =	vmul.f32 v35, v35;
	v37 =	vsub.f32 v2, v41;
	v38 =	vbroadcast v4, $0xC  }
0xac: {  	v11 =	vsub.f32 v3, v11;
	v27 =	vadd.f32 v36, v27;
	v36 =	vbroadcast v4, $0xB  }
0xad: {  	v26 =	vadd.f32 v35, v26;
	v31 =	vadd.f32 v32, v31;
	v32 =	vmul.f32 v34, v34  }
0xae: {  	v27 =	vadd.f32 v33, v27;
	v21 =	vadd.f32 v28, v21;
	v28 =	vmul.f32 v37, v37  }
0xaf: {  	v14 =	vsub.f32 v1, v14;
	v25 =	vadd.f32 v25, v26;
	v26 =	vmul.f32 v43, v43  }
0xb0: {  	v12 =	vsub.f32 v1, v12;
	v10 =	vmul.f32 v10, v10;
	v33 =	vsub.f32 v2, v36  }
0xb1: {  	v15 =	vsub.f32 v3, v15;
	v14 =	vmul.f32 v14, v14;
	vm0 =	vlt.f32 v25, v18  }
0xb2: {  	v33 =	vmul.f32 v33, v33;
	v18 =	vsel vm0, v25, v18;
	v25 =	vbroadcast v7, $0xB  }
0xb3: {  	v26 =	vadd.f32 v26, v39;
	vm2 =	vlt.f32 v21, v18;
	v29 =	vadd.f32 v32, v29  }
0xb4: {  	v12 =	vmul.f32 v12, v12;
	v18 =	vsel vm2, v21, v18;
	v21 =	vsub.f32 v3, v25  }
0xb5: {  	v15 =	vmul.f32 v15, v15;
	s30 =	sadd.s32 $0xFFFFFFF2, s23;
	v7 =	vbroadcast v7, $0xC;
	vm4 =	vlt.f32 v31, v18  }
0xb6: {  	v17 =	vsel vm0, s30, v17;
	v25 =	vsub.f32 v2, v38;
	v18 =	vsel vm4, v31, v18  }
0xb7: {  	v13 =	vadd.f32 v28, v13;
	v21 =	vmul.f32 v21, v21;
	vm1 =	vlt.f32 v20, v18  }
0xb8: {  	v7 =	vsub.f32 v3, v7;
	v18 =	vsel vm1, v20, v18;
	v20 =	vmul.f32 v25, v25  }
0xb9: {  	v23 =	vadd.f32 v23, v24;
	v13 =	vadd.f32 v15, v13;
	vm0 =	vlt.f32 v22, v18  }
0xba: {  	v7 =	vmul.f32 v7, v7;
	v15 =	vsel vm0, v22, v18;
	v12 =	vadd.f32 v20, v12  }
0xbb: {  	v16 =	vmul.f32 v16, v16;
	v14 =	vadd.f32 v33, v14;
	vm3 =	vlt.f32 v27, v15  }
0xbc: {  	s30 =	sadd.s32 $0xFFFFFFF3, s23;
	v4 =	vbroadcast v4, $0xE;
	v18 =	vadd.f32 v19, v26;
	v15 =	vsel vm3, v27, v15  }
0xbd: {  	v6 =	vsub.f32 v1, v6;
	v17 =	vsel vm2, s30, v17;
	s30 =	sadd.s32 $0xFFFFFFF4, s23;
	v19 =	vsub.f32 v3, v30  }
0xbe: {  	v9 =	vmul.f32 v9, v9;
	v4 =	vsub.f32 v2, v4;
	v17 =	vsel vm4, s30, v17  }
0xbf: {  	v14 =	vadd.f32 v21, v14;
	v19 =	vmul.f32 v19, v19;
	vm2 =	vlt.f32 v23, v15  }
0xc0: {  	v6 =	vmul.f32 v6, v6;
	v4 =	vmul.f32 v4, v4;
	s30 =	sadd.s32 $0xFFFFFFF5, s23;
	v15 =	vsel vm2, v23, v15  }
0xc1: {  	v17 =	vsel vm1, s30, v17;
	v7 =	vadd.f32 v7, v12;
	vm1 =	vlt.f32 v18, v15  }
0xc2: {  	v6 =	vadd.f32 v16, v6;
	v4 =	vadd.f32 v4, v10;
	s30 =	sadd.s32 $0xFFFFFFF6, s23;
	v12 =	vsel vm1, v18, v15  }
0xc3: {  	v8 =	vmul.f32 v8, v8;
	v10 =	vsel vm0, s30, v17;
	s30 =	sadd.s32 $0xFFFFFFF7, s23;
	vm0 =	vlt.f32 v29, v12  }
0xc4: {  	v10 =	vsel vm3, s30, v10;
	s30 =	sadd.s32 $0xFFFFFFF8, s23;
	v6 =	vadd.f32 v19, v6;
	v12 =	vsel vm0, v29, v12  }
0xc5: {  	v8 =	vadd.f32 v8, v4;
	v10 =	vsel vm2, s30, v10;
	s30 =	sadd.s32 $0xFFFFFFF9, s23;
	vm2 =	vlt.f32 v13, v12  }
.Ltmp0:
0xc6: {  	v5 =	vmul.f32 v5, v5;
	v4 =	vsel vm1, s30, v10;
	s30 =	sadd.s32 $0xFFFFFFFA, s23;
	v10 =	vsel vm2, v13, v12;
	(pc) =	sbr.rel @p0 .LBB2_3-.Ltmp0, $4  }
0xc7: {  	v11 =	vmul.f32 v11, v11;
	v4 =	vsel vm0, s30, v4;
	s30 =	sadd.s32 $0xFFFFFFFB, s23;
	vm0 =	vlt.f32 v14, v10  }
0xc8: {  	v5 =	vadd.f32 v5, v9;
	v4 =	vsel vm2, s30, v4;
	s30 =	sadd.s32 $0xFFFFFFFC, s23;
	v10 =	vsel vm0, v14, v10  }
0xc9: {  	v4 =	vsel vm0, s30, v4;
	s30 =	sadd.s32 $0xFFFFFFFD, s23;
	vm0 =	vlt.f32 v7, v10  }
0xca: {  	s26 =	sadd.s32 $0x10, s26;
	s29 =	sadd.s32 $0x10, s29;
	s28 =	sadd.s32 $0x10, s28;
	v5 =	vadd.f32 v11, v5;
	v9 =	vsel vm0, v7, v10;
	v4 =	vsel vm0, s30, v4  }
0xcb: {  	vm0 =	vlt.f32 v6, v9;
	s21 =	sadd.s32 $0x1, s21  }
0xcc: {  	v1 =	vsel vm0, v6, v9;
	p0 =	sne.s32 s21, $0x26  }
.Ltmp1:
0xcd: {  	vm1 =	vlt.f32 v8, v1;
	(pc) =	sbr.rel @p0 .LBB2_2-.Ltmp1, $4  }
0xce: {  	s31 =	sadd.s32 $0xFFFFFFFF, s23;
	v2 =	vsel vm0, s24, v4;
	v1 =	vsel vm1, v8, v1  }
0xcf: {  	v2 =	vsel vm1, s31, v2;
	vm15 =	vlt.f32 v5, v1  }
0xd0: {  	v1 =	vsel vm15, v5, v1;
	v2 =	vsel vm15, s23, v2  }
0xd1: {  	[tilespmem:s22+$0x6780] =	vst v2;
	v0 =	vadd.f32 v1, v0  }
0xd2: {  	_ = 	snop  }
0xd3: {  	[tilespmem:$0x6A00] =	vst v0  }
0xd4: {  	[hbm4b:s9+s2] =	stream.linear.scatter [tilespmem:s18], [sflag:$0x1], $0x260, $0x38;
	[tilespmem:$0x6A80] =	vst v63  }
0xd5: {  	s20 =	sadd.s32 $0x1, s20;
	_ =	swait.ge [sflag:s12], $0x260  }
0xd6: {  	p0 =	sne.s32 s20, s11;
	[sflag:s12] =	ssyncset.done $0x0  }
.Ltmp2:
0xd7: {  	[sflag:s12] =	ssyncadd.s32 $0xFFFFFDA0;
	(pc) =	sbr.rel @p0 .LBB2_1-.Ltmp2, $4  }
0xd8: {  	[hbm4b:s10+s2] =	stream.linear.scatter [tilespmem:s19], [sflag:$0x1], $0x10, $0x38;
	[tilespmem:$0x6A80] =	vst v63  }
0xd9: {  	_ =	swait.ge [sflag:s12], $0x10  }
0xda: {  	[sflag:s12] =	ssyncset.done $0x0  }
0xdb: {  	[sflag:s12] =	ssyncadd.s32 $0xFFFFFFF0  }
0xdc: {  	_ =	sfence.sel $0x180000  }
0xdd: {  	[bflag:$0x0] =	sbarrier.arrive $0xFFFF  }
0xde: {  	p0 =	sne.s32 s0, $0x0;
	_ =	strace $0x90000047  }
0xdf: {  	s0 =	sadd.s32 @!p0 $0x100000, s1;
	[bflag:$0x2] =	sbarrier.arrive $0xFFFF  }
0xe0: {  	[sflag:s0] =	ssyncadd.tile.s32 @!p0 $0x1;
	_ =	shalt  }
.Lfunc_end2:
_tile_overlayer_lowered:
.L_overlay_start_2:
0xe1: {  	(tag) =	ssettag $0x2  }
0xe2: {  	s0 =	rddreg [dreg:$0x0];
	s2 =	stileid.u32  }
0xe3: {  	s1 =	rddreg [dreg:$0x1];
	p0 =	sne.s32 s2, $0x0  }
0xe4: {  	s3 =	rddreg [dreg:$0x2];
	[bflag:$0x3] =	sbarrier.arrive $0xFFFF;
	s2 =	simm.s32 @!p0 $0x1C01  }
0xe5: {  	[timem:s3], [sflag:s2] =	dma.local @!p0 [hbm:s0], s1  }
0xe6: {  	s0 =	simm.s32 @!p0 $0x1  }
0xe7: {  	_ =	swait.ge @!p0 [sflag:s0], s1  }
0xe8: {  	s1 =	ssub.s32 @!p0 $0x0, s1;
	[sflag:s0] =	ssyncset.done @!p0 $0x0  }
0xe9: {  	[sflag:s0] =	ssyncadd.s32 @!p0 s1  }
0xea: {  	[bflag:$0x3] =	sbarrier.arrive $0xFFFF  }
0xeb: {  	_ =	shalt  }

</sc_bundles>
